<compile_context>
chip_gen: v7x
topology: tpu7x:2x2x1
jax: 0.10.2.dev20260603
libtpu: 0.0.44.dev20260713+nightly
codegen_flags: <defaults>
</compile_context>

<pallas_src>
import functools

import jax
import jax.numpy as jnp
from jax import lax
from jax.experimental import pallas as pl
from jax.experimental.pallas import tpu as pltpu
from jax.experimental.pallas import tpu_sc as plsc

B = 16384
D = 128
N_TAB = 1000
NC = 2
NS = 16
NW = NC * NS
RW = B // NW
CH = 128
NCHUNK = RW // CH
NIB = 2
NOB = 2
L = 16


def _body(embed_h, ts_h, noise_h, a_h, om_h, out_h,
          a_tab, om_tab, ts_v,
          eb0, eb1, nb0, nb1, ob0, ob1,
          es0, es1, ns0, ns1, os0, os1):
    wid = lax.axis_index("s") * NC + lax.axis_index("c")
    base = wid * RW

    ebufs = (eb0, eb1)
    nbufs = (nb0, nb1)
    obufs = (ob0, ob1)
    esems = (es0, es1)
    nsems = (ns0, ns1)
    osems = (os0, os1)

    def start_in(c):
        bsel = c % NIB
        ecp = pltpu.async_copy(embed_h.at[pl.ds(base + c * CH, CH)],
                               ebufs[bsel], esems[bsel])
        ncp = pltpu.async_copy(noise_h.at[pl.ds(base + c * CH, CH)],
                               nbufs[bsel], nsems[bsel])
        return ecp, ncp

    in_cp = [None] * NIB
    out_cp = [None] * NOB
    for c in range(NIB - 1):
        in_cp[c] = start_in(c)

    pltpu.sync_copy(a_h, a_tab)
    pltpu.sync_copy(om_h, om_tab)
    pltpu.sync_copy(ts_h.at[pl.ds(base, RW)], ts_v)

    def compute_chunk(c, ebuf, nbuf, obuf):
        @plsc.parallel_loop(0, CH, unroll=1)
        def rows(r):
            bidx = jnp.full((L,), c * CH + r, dtype=jnp.int32)
            t_b = plsc.load_gather(ts_v, [bidx])
            aj = plsc.load_gather(a_tab, [t_b])
            omj = plsc.load_gather(om_tab, [t_b])
            for k in range(D // L):
                sl = pl.ds(k * L, L)
                obuf[r, sl] = aj * ebuf[r, sl] + omj * nbuf[r, sl]

    for c in range(NCHUNK):
        ib = c % NIB
        ob = c % NOB
        if c + NIB - 1 < NCHUNK:
            in_cp[(c + NIB - 1) % NIB] = start_in(c + NIB - 1)
        ecp, ncp = in_cp[ib]
        ecp.wait()
        ncp.wait()
        if c >= NOB:
            out_cp[ob].wait()
        compute_chunk(c, ebufs[ib], nbufs[ib], obufs[ob])
        out_cp[ob] = pltpu.async_copy(
            obufs[ob], out_h.at[pl.ds(base + c * CH, CH)], osems[ob])

    for c in range(NCHUNK - NOB, NCHUNK):
        out_cp[c % NOB].wait()


@jax.jit
def _diffuse(embed, time_steps, noise, a_tab, om_tab):
    kfn = functools.partial(
        pl.kernel,
        out_type=jax.ShapeDtypeStruct((B, D), jnp.float32),
        mesh=plsc.VectorSubcoreMesh(core_axis_name="c", subcore_axis_name="s"),
        compiler_params=pltpu.CompilerParams(needs_layout_passes=False),
        scratch_types=[
            pltpu.VMEM((N_TAB,), jnp.float32),
            pltpu.VMEM((N_TAB,), jnp.float32),
            pltpu.VMEM((RW,), jnp.int32),
            pltpu.VMEM((CH, D), jnp.float32),
            pltpu.VMEM((CH, D), jnp.float32),
            pltpu.VMEM((CH, D), jnp.float32),
            pltpu.VMEM((CH, D), jnp.float32),
            pltpu.VMEM((CH, D), jnp.float32),
            pltpu.VMEM((CH, D), jnp.float32),
            pltpu.SemaphoreType.DMA,
            pltpu.SemaphoreType.DMA,
            pltpu.SemaphoreType.DMA,
            pltpu.SemaphoreType.DMA,
            pltpu.SemaphoreType.DMA,
            pltpu.SemaphoreType.DMA,
        ],
    )(_body)
    return kfn(embed, time_steps, noise, a_tab, om_tab)


def kernel(embed, time_steps, noise, sqrt_alphas_cumprod,
           sqrt_one_minus_alphas_cumprod):
    ts = time_steps.astype(jnp.int32)
    return _diffuse(embed, ts, noise, sqrt_alphas_cumprod,
                    sqrt_one_minus_alphas_cumprod)

# --- scband reference (transcript-rebuilt; emitter-appended) ---
"""Pipeline reference for scband-diffusion-module-14061722927222 (READ-ONLY COPY).

The authoritative reference and input builder live on the scoring server;
editing this copy changes nothing except your own understanding.
"""

import jax, jax.numpy as jnp
import numpy as np

N_TIMESTEPS = 1000

def cosine_beta_schedule(timesteps, s=0.008):
    steps = timesteps + 1
    x = np.linspace(0, steps, steps)
    alphas_cumprod = np.cos((x / steps + s) / (1 + s) * np.pi * 0.5) ** 2
    alphas_cumprod = alphas_cumprod / alphas_cumprod[0]
    betas = 1 - alphas_cumprod[1:] / alphas_cumprod[:-1]
    return np.clip(betas, a_min=0, a_max=0.999)


def setup_inputs(seed: int = 0) -> dict:
    key = jax.random.key(seed)
    k1, k2, k3 = jax.random.split(key, 3)
    B, D = 16384, 128
    embed = jax.random.normal(k1, (B, D), dtype=jnp.float32)
    time_steps = jax.random.randint(k2, (B,), 0, N_TIMESTEPS, dtype=jnp.int64 if jax.config.jax_enable_x64 else jnp.int32)
    noise = jax.random.normal(k3, (B, D), dtype=jnp.float32)
    betas = cosine_beta_schedule(N_TIMESTEPS)
    alphas = 1.0 - betas
    alphas_cumprod = np.cumprod(alphas, axis=0)
    sqrt_alphas_cumprod = jnp.asarray(np.sqrt(alphas_cumprod), dtype=jnp.float32)
    sqrt_one_minus_alphas_cumprod = jnp.asarray(np.sqrt(1.0 - alphas_cumprod), dtype=jnp.float32)
    return {
        "embed": embed,
        "time_steps": time_steps,
        "noise": noise,
        "sqrt_alphas_cumprod": sqrt_alphas_cumprod,
        "sqrt_one_minus_alphas_cumprod": sqrt_one_minus_alphas_cumprod,
    }


def reference(embed, time_steps, noise, sqrt_alphas_cumprod, sqrt_one_minus_alphas_cumprod):
    b = time_steps.shape[0]
    # extract: gather schedule coefficients at sampled timesteps, broadcast over feature dims
    a_t = jnp.take(sqrt_alphas_cumprod, time_steps, axis=0).reshape(b, *(1,) * (embed.ndim - 1))
    one_minus_a_t = jnp.take(sqrt_one_minus_alphas_cumprod, time_steps, axis=0).reshape(b, *(1,) * (embed.ndim - 1))
    return a_t * embed + one_minus_a_t * noise

if __name__ == "__main__":
    import jax
    _d = setup_inputs()
    print(jax.jit(kernel)(*tuple(_d.values())))

</pallas_src>

<mosaic_0001>
#map = affine_map<(d0, d1) -> (0, 0)>
#map1 = affine_map<(d0, d1) -> (0)>
module attributes {stable_mosaic.version = 14 : i64} {
  func.func @_body(%arg0: i32, %arg1: i32, %arg2: memref<16384x128xf32, #tpu.memory_space<hbm>>, %arg3: memref<16384xi32, #tpu.memory_space<hbm>>, %arg4: memref<16384x128xf32, #tpu.memory_space<hbm>>, %arg5: memref<1000xf32, #tpu.memory_space<hbm>>, %arg6: memref<1000xf32, #tpu.memory_space<hbm>>, %arg7: memref<16384x128xf32, #tpu.memory_space<hbm>>, %arg8: memref<1000xf32, #tpu.memory_space<vmem>>, %arg9: memref<1000xf32, #tpu.memory_space<vmem>>, %arg10: memref<512xi32, #tpu.memory_space<vmem>>, %arg11: memref<128x128xf32, #tpu.memory_space<vmem>>, %arg12: memref<128x128xf32, #tpu.memory_space<vmem>>, %arg13: memref<128x128xf32, #tpu.memory_space<vmem>>, %arg14: memref<128x128xf32, #tpu.memory_space<vmem>>, %arg15: memref<128x128xf32, #tpu.memory_space<vmem>>, %arg16: memref<128x128xf32, #tpu.memory_space<vmem>>, %arg17: memref<!tpu.dma_semaphore, #tpu.memory_space<semaphore_mem>>, %arg18: memref<!tpu.dma_semaphore, #tpu.memory_space<semaphore_mem>>, %arg19: memref<!tpu.dma_semaphore, #tpu.memory_space<semaphore_mem>>, %arg20: memref<!tpu.dma_semaphore, #tpu.memory_space<semaphore_mem>>, %arg21: memref<!tpu.dma_semaphore, #tpu.memory_space<semaphore_mem>>, %arg22: memref<!tpu.dma_semaphore, #tpu.memory_space<semaphore_mem>>) attributes {dimension_semantics = [#tpu.dimension_semantics<core_parallel>, #tpu.dimension_semantics<subcore_parallel>], iteration_bounds = array<i64: 2, 16>, scalar_prefetch = 0 : i64, scratch_operands = 15 : i64, tpu.core_type = #tpu.core_type<sc_vector_subcore>, window_params = [{transform_indices = #map}, {transform_indices = #map1}, {transform_indices = #map}, {transform_indices = #map1}, {transform_indices = #map1}, {transform_indices = #map}]} {
    %mul3A = arith.constant 2 : i32
    %mul3A_0 = arith.muli %arg1, %mul3A : i32
    %add3A = arith.addi %mul3A_0, %arg0 : i32
    %mul3A_1 = arith.constant 512 : i32
    %mul3A_2 = arith.muli %add3A, %mul3A_1 : i32
    %add3A_3 = arith.constant 0 : i32
    %add3A_4 = arith.addi %mul3A_2, %add3A_3 : i32
    %dma_start3A = arith.constant 0 : i32
    %dma_start3A_5 = tpu.memref_slice %arg2[%add3A_4, %dma_start3A] : memref<16384x128xf32, #tpu.memory_space<hbm>> -> memref<128x128xf32, #tpu.memory_space<hbm>>
    %dma_start3A_6 = arith.constant 0 : i32
    %dma_start3A_7 = tpu.memref_slice %arg2[%add3A_4, %dma_start3A_6] : memref<16384x128xf32, #tpu.memory_space<hbm>> -> memref<128x128xf32, #tpu.memory_space<hbm>>
    tpu.enqueue_dma source(%dma_start3A_7 : memref<128x128xf32, #tpu.memory_space<hbm>>) target(%arg11 : memref<128x128xf32, #tpu.memory_space<vmem>>) target_semaphore(%arg17 : memref<!tpu.dma_semaphore, #tpu.memory_space<semaphore_mem>>)
    %add3A_8 = arith.constant 0 : i32
    %add3A_9 = arith.addi %mul3A_2, %add3A_8 : i32
    %dma_start3A_10 = arith.constant 0 : i32
    %dma_start3A_11 = tpu.memref_slice %arg4[%add3A_9, %dma_start3A_10] : memref<16384x128xf32, #tpu.memory_space<hbm>> -> memref<128x128xf32, #tpu.memory_space<hbm>>
    %dma_start3A_12 = arith.constant 0 : i32
    %dma_start3A_13 = tpu.memref_slice %arg4[%add3A_9, %dma_start3A_12] : memref<16384x128xf32, #tpu.memory_space<hbm>> -> memref<128x128xf32, #tpu.memory_space<hbm>>
    tpu.enqueue_dma source(%dma_start3A_13 : memref<128x128xf32, #tpu.memory_space<hbm>>) target(%arg13 : memref<128x128xf32, #tpu.memory_space<vmem>>) target_semaphore(%arg19 : memref<!tpu.dma_semaphore, #tpu.memory_space<semaphore_mem>>)
    "tpu.region"() ({
      %run_scoped3A = tpu.sem_alloc : memref<!tpu.dma_semaphore, #tpu.memory_space<semaphore_mem>>
      tpu.enqueue_dma source(%arg5 : memref<1000xf32, #tpu.memory_space<hbm>>) target(%arg8 : memref<1000xf32, #tpu.memory_space<vmem>>) target_semaphore(%run_scoped3A : memref<!tpu.dma_semaphore, #tpu.memory_space<semaphore_mem>>)
      tpu.wait_dma2 semaphore(%run_scoped3A : memref<!tpu.dma_semaphore, #tpu.memory_space<semaphore_mem>>) src(%arg5 : memref<1000xf32, #tpu.memory_space<hbm>>) dst(%arg8 : memref<1000xf32, #tpu.memory_space<vmem>>)
      tpu.yield
    }) : () -> ()
    "tpu.region"() ({
      %run_scoped3A = tpu.sem_alloc : memref<!tpu.dma_semaphore, #tpu.memory_space<semaphore_mem>>
      tpu.enqueue_dma source(%arg6 : memref<1000xf32, #tpu.memory_space<hbm>>) target(%arg9 : memref<1000xf32, #tpu.memory_space<vmem>>) target_semaphore(%run_scoped3A : memref<!tpu.dma_semaphore, #tpu.memory_space<semaphore_mem>>)
      tpu.wait_dma2 semaphore(%run_scoped3A : memref<!tpu.dma_semaphore, #tpu.memory_space<semaphore_mem>>) src(%arg6 : memref<1000xf32, #tpu.memory_space<hbm>>) dst(%arg9 : memref<1000xf32, #tpu.memory_space<vmem>>)
      tpu.yield
    }) : () -> ()
    "tpu.region"() ({
      %run_scoped3A = tpu.sem_alloc : memref<!tpu.dma_semaphore, #tpu.memory_space<semaphore_mem>>
      %dma_start3A_132 = tpu.memref_slice %arg3[%mul3A_2] : memref<16384xi32, #tpu.memory_space<hbm>> -> memref<512xi32, #tpu.memory_space<hbm>>
      %dma_start3A_133 = tpu.memref_slice %arg3[%mul3A_2] : memref<16384xi32, #tpu.memory_space<hbm>> -> memref<512xi32, #tpu.memory_space<hbm>>
      tpu.enqueue_dma source(%dma_start3A_133 : memref<512xi32, #tpu.memory_space<hbm>>) target(%arg10 : memref<512xi32, #tpu.memory_space<vmem>>) target_semaphore(%run_scoped3A : memref<!tpu.dma_semaphore, #tpu.memory_space<semaphore_mem>>)
      %dma_wait3A_134 = tpu.memref_slice %arg3[%mul3A_2] : memref<16384xi32, #tpu.memory_space<hbm>> -> memref<512xi32, #tpu.memory_space<hbm>>
      %dma_wait3A_135 = tpu.memref_slice %arg3[%mul3A_2] : memref<16384xi32, #tpu.memory_space<hbm>> -> memref<512xi32, #tpu.memory_space<hbm>>
      tpu.wait_dma2 semaphore(%run_scoped3A : memref<!tpu.dma_semaphore, #tpu.memory_space<semaphore_mem>>) src(%dma_wait3A_135 : memref<512xi32, #tpu.memory_space<hbm>>) dst(%arg10 : memref<512xi32, #tpu.memory_space<vmem>>)
      tpu.yield
    }) : () -> ()
    %add3A_14 = arith.constant 128 : i32
    %add3A_15 = arith.addi %mul3A_2, %add3A_14 : i32
    %dma_start3A_16 = arith.constant 0 : i32
    %dma_start3A_17 = tpu.memref_slice %arg2[%add3A_15, %dma_start3A_16] : memref<16384x128xf32, #tpu.memory_space<hbm>> -> memref<128x128xf32, #tpu.memory_space<hbm>>
    %dma_start3A_18 = arith.constant 0 : i32
    %dma_start3A_19 = tpu.memref_slice %arg2[%add3A_15, %dma_start3A_18] : memref<16384x128xf32, #tpu.memory_space<hbm>> -> memref<128x128xf32, #tpu.memory_space<hbm>>
    tpu.enqueue_dma source(%dma_start3A_19 : memref<128x128xf32, #tpu.memory_space<hbm>>) target(%arg12 : memref<128x128xf32, #tpu.memory_space<vmem>>) target_semaphore(%arg18 : memref<!tpu.dma_semaphore, #tpu.memory_space<semaphore_mem>>)
    %add3A_20 = arith.constant 128 : i32
    %add3A_21 = arith.addi %mul3A_2, %add3A_20 : i32
    %dma_start3A_22 = arith.constant 0 : i32
    %dma_start3A_23 = tpu.memref_slice %arg4[%add3A_21, %dma_start3A_22] : memref<16384x128xf32, #tpu.memory_space<hbm>> -> memref<128x128xf32, #tpu.memory_space<hbm>>
    %dma_start3A_24 = arith.constant 0 : i32
    %dma_start3A_25 = tpu.memref_slice %arg4[%add3A_21, %dma_start3A_24] : memref<16384x128xf32, #tpu.memory_space<hbm>> -> memref<128x128xf32, #tpu.memory_space<hbm>>
    tpu.enqueue_dma source(%dma_start3A_25 : memref<128x128xf32, #tpu.memory_space<hbm>>) target(%arg14 : memref<128x128xf32, #tpu.memory_space<vmem>>) target_semaphore(%arg20 : memref<!tpu.dma_semaphore, #tpu.memory_space<semaphore_mem>>)
    %dma_wait3A = arith.constant 0 : i32
    %dma_wait3A_26 = tpu.memref_slice %arg2[%add3A_4, %dma_wait3A] : memref<16384x128xf32, #tpu.memory_space<hbm>> -> memref<128x128xf32, #tpu.memory_space<hbm>>
    %dma_wait3A_27 = arith.constant 0 : i32
    %dma_wait3A_28 = tpu.memref_slice %arg2[%add3A_4, %dma_wait3A_27] : memref<16384x128xf32, #tpu.memory_space<hbm>> -> memref<128x128xf32, #tpu.memory_space<hbm>>
    tpu.wait_dma2 semaphore(%arg17 : memref<!tpu.dma_semaphore, #tpu.memory_space<semaphore_mem>>) src(%dma_wait3A_28 : memref<128x128xf32, #tpu.memory_space<hbm>>) dst(%arg11 : memref<128x128xf32, #tpu.memory_space<vmem>>)
    %dma_wait3A_29 = arith.constant 0 : i32
    %dma_wait3A_30 = tpu.memref_slice %arg4[%add3A_9, %dma_wait3A_29] : memref<16384x128xf32, #tpu.memory_space<hbm>> -> memref<128x128xf32, #tpu.memory_space<hbm>>
    %dma_wait3A_31 = arith.constant 0 : i32
    %dma_wait3A_32 = tpu.memref_slice %arg4[%add3A_9, %dma_wait3A_31] : memref<16384x128xf32, #tpu.memory_space<hbm>> -> memref<128x128xf32, #tpu.memory_space<hbm>>
    tpu.wait_dma2 semaphore(%arg19 : memref<!tpu.dma_semaphore, #tpu.memory_space<semaphore_mem>>) src(%dma_wait3A_32 : memref<128x128xf32, #tpu.memory_space<hbm>>) dst(%arg13 : memref<128x128xf32, #tpu.memory_space<vmem>>)
    %parallel_loop3A = arith.constant 0 : i32
    %parallel_loop3A_33 = arith.constant 128 : i32
    %parallel_loop3A_34 = arith.constant 1 : i32
    scf.for %parallel_loop3A_132 = %parallel_loop3A to %parallel_loop3A_33 step %parallel_loop3A_34  : i32 {
      %parallel_loop3A_133 = arith.constant 0 : i32
      %parallel_loop3A_134 = arith.addi %parallel_loop3A_133, %parallel_loop3A_132 : i32
      %parallel_loop3A_135 = vector.broadcast %parallel_loop3A_134 : i32 to vector<16xi32>
      %parallel_loop3A_136 = tpu.vector_load_idx %arg10[%parallel_loop3A_135] : memref<512xi32, #tpu.memory_space<vmem>>[vector<16xi32>], vector<16xi32>,
      %parallel_loop3A_137 = tpu.vector_load_idx %arg8[%parallel_loop3A_136] : memref<1000xf32, #tpu.memory_space<vmem>>[vector<16xi32>], vector<16xf32>,
      %parallel_loop3A_138 = tpu.vector_load_idx %arg9[%parallel_loop3A_136] : memref<1000xf32, #tpu.memory_space<vmem>>[vector<16xi32>], vector<16xf32>,
      %parallel_loop3A_139 = arith.index_cast %parallel_loop3A_132 : i32 to index
      %parallel_loop3A_140 = arith.constant 0 : index
      %parallel_loop3A_141 = tpu.vector_load %arg11[%parallel_loop3A_139, %parallel_loop3A_140] {strides = array<i32>} : memref<128x128xf32, #tpu.memory_space<vmem>>, vector<16xf32>,
      %parallel_loop3A_142 = arith.mulf %parallel_loop3A_137, %parallel_loop3A_141 : vector<16xf32>
      %parallel_loop3A_143 = arith.index_cast %parallel_loop3A_132 : i32 to index
      %parallel_loop3A_144 = arith.constant 0 : index
      %parallel_loop3A_145 = tpu.vector_load %arg13[%parallel_loop3A_143, %parallel_loop3A_144] {strides = array<i32>} : memref<128x128xf32, #tpu.memory_space<vmem>>, vector<16xf32>,
      %parallel_loop3A_146 = arith.mulf %parallel_loop3A_138, %parallel_loop3A_145 : vector<16xf32>
      %parallel_loop3A_147 = arith.addf %parallel_loop3A_142, %parallel_loop3A_146 : vector<16xf32>
      %parallel_loop3A_148 = arith.index_cast %parallel_loop3A_132 : i32 to index
      %parallel_loop3A_149 = arith.constant 0 : index
      %parallel_loop3A_150 = tpu.vector_load %arg15[%parallel_loop3A_148, %parallel_loop3A_149] {strides = array<i32>} : memref<128x128xf32, #tpu.memory_space<vmem>>, vector<16xf32>,
      tpu.vector_store %arg15[%parallel_loop3A_148, %parallel_loop3A_149], %parallel_loop3A_147 {strides = array<i32>} : memref<128x128xf32, #tpu.memory_space<vmem>>, vector<16xf32>,
      %parallel_loop3A_151 = arith.index_cast %parallel_loop3A_132 : i32 to index
      %parallel_loop3A_152 = arith.constant 16 : index
      %parallel_loop3A_153 = tpu.vector_load %arg11[%parallel_loop3A_151, %parallel_loop3A_152] {strides = array<i32>} : memref<128x128xf32, #tpu.memory_space<vmem>>, vector<16xf32>,
      %parallel_loop3A_154 = arith.mulf %parallel_loop3A_137, %parallel_loop3A_153 : vector<16xf32>
      %parallel_loop3A_155 = arith.index_cast %parallel_loop3A_132 : i32 to index
      %parallel_loop3A_156 = arith.constant 16 : index
      %parallel_loop3A_157 = tpu.vector_load %arg13[%parallel_loop3A_155, %parallel_loop3A_156] {strides = array<i32>} : memref<128x128xf32, #tpu.memory_space<vmem>>, vector<16xf32>,
      %parallel_loop3A_158 = arith.mulf %parallel_loop3A_138, %parallel_loop3A_157 : vector<16xf32>
      %parallel_loop3A_159 = arith.addf %parallel_loop3A_154, %parallel_loop3A_158 : vector<16xf32>
      %parallel_loop3A_160 = arith.index_cast %parallel_loop3A_132 : i32 to index
      %parallel_loop3A_161 = arith.constant 16 : index
      %parallel_loop3A_162 = tpu.vector_load %arg15[%parallel_loop3A_160, %parallel_loop3A_161] {strides = array<i32>} : memref<128x128xf32, #tpu.memory_space<vmem>>, vector<16xf32>,
      tpu.vector_store %arg15[%parallel_loop3A_160, %parallel_loop3A_161], %parallel_loop3A_159 {strides = array<i32>} : memref<128x128xf32, #tpu.memory_space<vmem>>, vector<16xf32>,
      %parallel_loop3A_163 = arith.index_cast %parallel_loop3A_132 : i32 to index
      %parallel_loop3A_164 = arith.constant 32 : index
      %parallel_loop3A_165 = tpu.vector_load %arg11[%parallel_loop3A_163, %parallel_loop3A_164] {strides = array<i32>} : memref<128x128xf32, #tpu.memory_space<vmem>>, vector<16xf32>,
      %parallel_loop3A_166 = arith.mulf %parallel_loop3A_137, %parallel_loop3A_165 : vector<16xf32>
      %parallel_loop3A_167 = arith.index_cast %parallel_loop3A_132 : i32 to index
      %parallel_loop3A_168 = arith.constant 32 : index
      %parallel_loop3A_169 = tpu.vector_load %arg13[%parallel_loop3A_167, %parallel_loop3A_168] {strides = array<i32>} : memref<128x128xf32, #tpu.memory_space<vmem>>, vector<16xf32>,
      %parallel_loop3A_170 = arith.mulf %parallel_loop3A_138, %parallel_loop3A_169 : vector<16xf32>
      %parallel_loop3A_171 = arith.addf %parallel_loop3A_166, %parallel_loop3A_170 : vector<16xf32>
      %parallel_loop3A_172 = arith.index_cast %parallel_loop3A_132 : i32 to index
      %parallel_loop3A_173 = arith.constant 32 : index
      %parallel_loop3A_174 = tpu.vector_load %arg15[%parallel_loop3A_172, %parallel_loop3A_173] {strides = array<i32>} : memref<128x128xf32, #tpu.memory_space<vmem>>, vector<16xf32>,
      tpu.vector_store %arg15[%parallel_loop3A_172, %parallel_loop3A_173], %parallel_loop3A_171 {strides = array<i32>} : memref<128x128xf32, #tpu.memory_space<vmem>>, vector<16xf32>,
      %parallel_loop3A_175 = arith.index_cast %parallel_loop3A_132 : i32 to index
      %parallel_loop3A_176 = arith.constant 48 : index
      %parallel_loop3A_177 = tpu.vector_load %arg11[%parallel_loop3A_175, %parallel_loop3A_176] {strides = array<i32>} : memref<128x128xf32, #tpu.memory_space<vmem>>, vector<16xf32>,
      %parallel_loop3A_178 = arith.mulf %parallel_loop3A_137, %parallel_loop3A_177 : vector<16xf32>
      %parallel_loop3A_179 = arith.index_cast %parallel_loop3A_132 : i32 to index
      %parallel_loop3A_180 = arith.constant 48 : index
      %parallel_loop3A_181 = tpu.vector_load %arg13[%parallel_loop3A_179, %parallel_loop3A_180] {strides = array<i32>} : memref<128x128xf32, #tpu.memory_space<vmem>>, vector<16xf32>,
      %parallel_loop3A_182 = arith.mulf %parallel_loop3A_138, %parallel_loop3A_181 : vector<16xf32>
      %parallel_loop3A_183 = arith.addf %parallel_loop3A_178, %parallel_loop3A_182 : vector<16xf32>
      %parallel_loop3A_184 = arith.index_cast %parallel_loop3A_132 : i32 to index
      %parallel_loop3A_185 = arith.constant 48 : index
      %parallel_loop3A_186 = tpu.vector_load %arg15[%parallel_loop3A_184, %parallel_loop3A_185] {strides = array<i32>} : memref<128x128xf32, #tpu.memory_space<vmem>>, vector<16xf32>,
      tpu.vector_store %arg15[%parallel_loop3A_184, %parallel_loop3A_185], %parallel_loop3A_183 {strides = array<i32>} : memref<128x128xf32, #tpu.memory_space<vmem>>, vector<16xf32>,
      %parallel_loop3A_187 = arith.index_cast %parallel_loop3A_132 : i32 to index
      %parallel_loop3A_188 = arith.constant 64 : index
      %parallel_loop3A_189 = tpu.vector_load %arg11[%parallel_loop3A_187, %parallel_loop3A_188] {strides = array<i32>} : memref<128x128xf32, #tpu.memory_space<vmem>>, vector<16xf32>,
      %parallel_loop3A_190 = arith.mulf %parallel_loop3A_137, %parallel_loop3A_189 : vector<16xf32>
      %parallel_loop3A_191 = arith.index_cast %parallel_loop3A_132 : i32 to index
      %parallel_loop3A_192 = arith.constant 64 : index
      %parallel_loop3A_193 = tpu.vector_load %arg13[%parallel_loop3A_191, %parallel_loop3A_192] {strides = array<i32>} : memref<128x128xf32, #tpu.memory_space<vmem>>, vector<16xf32>,
      %parallel_loop3A_194 = arith.mulf %parallel_loop3A_138, %parallel_loop3A_193 : vector<16xf32>
      %parallel_loop3A_195 = arith.addf %parallel_loop3A_190, %parallel_loop3A_194 : vector<16xf32>
      %parallel_loop3A_196 = arith.index_cast %parallel_loop3A_132 : i32 to index
      %parallel_loop3A_197 = arith.constant 64 : index
      %parallel_loop3A_198 = tpu.vector_load %arg15[%parallel_loop3A_196, %parallel_loop3A_197] {strides = array<i32>} : memref<128x128xf32, #tpu.memory_space<vmem>>, vector<16xf32>,
      tpu.vector_store %arg15[%parallel_loop3A_196, %parallel_loop3A_197], %parallel_loop3A_195 {strides = array<i32>} : memref<128x128xf32, #tpu.memory_space<vmem>>, vector<16xf32>,
      %parallel_loop3A_199 = arith.index_cast %parallel_loop3A_132 : i32 to index
      %parallel_loop3A_200 = arith.constant 80 : index
      %parallel_loop3A_201 = tpu.vector_load %arg11[%parallel_loop3A_199, %parallel_loop3A_200] {strides = array<i32>} : memref<128x128xf32, #tpu.memory_space<vmem>>, vector<16xf32>,
      %parallel_loop3A_202 = arith.mulf %parallel_loop3A_137, %parallel_loop3A_201 : vector<16xf32>
      %parallel_loop3A_203 = arith.index_cast %parallel_loop3A_132 : i32 to index
      %parallel_loop3A_204 = arith.constant 80 : index
      %parallel_loop3A_205 = tpu.vector_load %arg13[%parallel_loop3A_203, %parallel_loop3A_204] {strides = array<i32>} : memref<128x128xf32, #tpu.memory_space<vmem>>, vector<16xf32>,
      %parallel_loop3A_206 = arith.mulf %parallel_loop3A_138, %parallel_loop3A_205 : vector<16xf32>
      %parallel_loop3A_207 = arith.addf %parallel_loop3A_202, %parallel_loop3A_206 : vector<16xf32>
      %parallel_loop3A_208 = arith.index_cast %parallel_loop3A_132 : i32 to index
      %parallel_loop3A_209 = arith.constant 80 : index
      %parallel_loop3A_210 = tpu.vector_load %arg15[%parallel_loop3A_208, %parallel_loop3A_209] {strides = array<i32>} : memref<128x128xf32, #tpu.memory_space<vmem>>, vector<16xf32>,
      tpu.vector_store %arg15[%parallel_loop3A_208, %parallel_loop3A_209], %parallel_loop3A_207 {strides = array<i32>} : memref<128x128xf32, #tpu.memory_space<vmem>>, vector<16xf32>,
      %parallel_loop3A_211 = arith.index_cast %parallel_loop3A_132 : i32 to index
      %parallel_loop3A_212 = arith.constant 96 : index
      %parallel_loop3A_213 = tpu.vector_load %arg11[%parallel_loop3A_211, %parallel_loop3A_212] {strides = array<i32>} : memref<128x128xf32, #tpu.memory_space<vmem>>, vector<16xf32>,
      %parallel_loop3A_214 = arith.mulf %parallel_loop3A_137, %parallel_loop3A_213 : vector<16xf32>
      %parallel_loop3A_215 = arith.index_cast %parallel_loop3A_132 : i32 to index
      %parallel_loop3A_216 = arith.constant 96 : index
      %parallel_loop3A_217 = tpu.vector_load %arg13[%parallel_loop3A_215, %parallel_loop3A_216] {strides = array<i32>} : memref<128x128xf32, #tpu.memory_space<vmem>>, vector<16xf32>,
      %parallel_loop3A_218 = arith.mulf %parallel_loop3A_138, %parallel_loop3A_217 : vector<16xf32>
      %parallel_loop3A_219 = arith.addf %parallel_loop3A_214, %parallel_loop3A_218 : vector<16xf32>
      %parallel_loop3A_220 = arith.index_cast %parallel_loop3A_132 : i32 to index
      %parallel_loop3A_221 = arith.constant 96 : index
      %parallel_loop3A_222 = tpu.vector_load %arg15[%parallel_loop3A_220, %parallel_loop3A_221] {strides = array<i32>} : memref<128x128xf32, #tpu.memory_space<vmem>>, vector<16xf32>,
      tpu.vector_store %arg15[%parallel_loop3A_220, %parallel_loop3A_221], %parallel_loop3A_219 {strides = array<i32>} : memref<128x128xf32, #tpu.memory_space<vmem>>, vector<16xf32>,
      %parallel_loop3A_223 = arith.index_cast %parallel_loop3A_132 : i32 to index
      %parallel_loop3A_224 = arith.constant 112 : index
      %parallel_loop3A_225 = tpu.vector_load %arg11[%parallel_loop3A_223, %parallel_loop3A_224] {strides = array<i32>} : memref<128x128xf32, #tpu.memory_space<vmem>>, vector<16xf32>,
      %parallel_loop3A_226 = arith.mulf %parallel_loop3A_137, %parallel_loop3A_225 : vector<16xf32>
      %parallel_loop3A_227 = arith.index_cast %parallel_loop3A_132 : i32 to index
      %parallel_loop3A_228 = arith.constant 112 : index
      %parallel_loop3A_229 = tpu.vector_load %arg13[%parallel_loop3A_227, %parallel_loop3A_228] {strides = array<i32>} : memref<128x128xf32, #tpu.memory_space<vmem>>, vector<16xf32>,
      %parallel_loop3A_230 = arith.mulf %parallel_loop3A_138, %parallel_loop3A_229 : vector<16xf32>
      %parallel_loop3A_231 = arith.addf %parallel_loop3A_226, %parallel_loop3A_230 : vector<16xf32>
      %parallel_loop3A_232 = arith.index_cast %parallel_loop3A_132 : i32 to index
      %parallel_loop3A_233 = arith.constant 112 : index
      %parallel_loop3A_234 = tpu.vector_load %arg15[%parallel_loop3A_232, %parallel_loop3A_233] {strides = array<i32>} : memref<128x128xf32, #tpu.memory_space<vmem>>, vector<16xf32>,
      tpu.vector_store %arg15[%parallel_loop3A_232, %parallel_loop3A_233], %parallel_loop3A_231 {strides = array<i32>} : memref<128x128xf32, #tpu.memory_space<vmem>>, vector<16xf32>,
    } {sc.loop_unroll_factor = 1 : i64, sc.parallel_access}
    %add3A_35 = arith.constant 0 : i32
    %add3A_36 = arith.addi %mul3A_2, %add3A_35 : i32
    %dma_start3A_37 = arith.constant 0 : i32
    %dma_start3A_38 = tpu.memref_slice %arg7[%add3A_36, %dma_start3A_37] : memref<16384x128xf32, #tpu.memory_space<hbm>> -> memref<128x128xf32, #tpu.memory_space<hbm>>
    %dma_start3A_39 = arith.constant 0 : i32
    %dma_start3A_40 = tpu.memref_slice %arg7[%add3A_36, %dma_start3A_39] : memref<16384x128xf32, #tpu.memory_space<hbm>> -> memref<128x128xf32, #tpu.memory_space<hbm>>
    tpu.enqueue_dma source(%arg15 : memref<128x128xf32, #tpu.memory_space<vmem>>) target(%dma_start3A_40 : memref<128x128xf32, #tpu.memory_space<hbm>>) target_semaphore(%arg21 : memref<!tpu.dma_semaphore, #tpu.memory_space<semaphore_mem>>)
    %add3A_41 = arith.constant 256 : i32
    %add3A_42 = arith.addi %mul3A_2, %add3A_41 : i32
    %dma_start3A_43 = arith.constant 0 : i32
    %dma_start3A_44 = tpu.memref_slice %arg2[%add3A_42, %dma_start3A_43] : memref<16384x128xf32, #tpu.memory_space<hbm>> -> memref<128x128xf32, #tpu.memory_space<hbm>>
    %dma_start3A_45 = arith.constant 0 : i32
    %dma_start3A_46 = tpu.memref_slice %arg2[%add3A_42, %dma_start3A_45] : memref<16384x128xf32, #tpu.memory_space<hbm>> -> memref<128x128xf32, #tpu.memory_space<hbm>>
    tpu.enqueue_dma source(%dma_start3A_46 : memref<128x128xf32, #tpu.memory_space<hbm>>) target(%arg11 : memref<128x128xf32, #tpu.memory_space<vmem>>) target_semaphore(%arg17 : memref<!tpu.dma_semaphore, #tpu.memory_space<semaphore_mem>>)
    %add3A_47 = arith.constant 256 : i32
    %add3A_48 = arith.addi %mul3A_2, %add3A_47 : i32
    %dma_start3A_49 = arith.constant 0 : i32
    %dma_start3A_50 = tpu.memref_slice %arg4[%add3A_48, %dma_start3A_49] : memref<16384x128xf32, #tpu.memory_space<hbm>> -> memref<128x128xf32, #tpu.memory_space<hbm>>
    %dma_start3A_51 = arith.constant 0 : i32
    %dma_start3A_52 = tpu.memref_slice %arg4[%add3A_48, %dma_start3A_51] : memref<16384x128xf32, #tpu.memory_space<hbm>> -> memref<128x128xf32, #tpu.memory_space<hbm>>
    tpu.enqueue_dma source(%dma_start3A_52 : memref<128x128xf32, #tpu.memory_space<hbm>>) target(%arg13 : memref<128x128xf32, #tpu.memory_space<vmem>>) target_semaphore(%arg19 : memref<!tpu.dma_semaphore, #tpu.memory_space<semaphore_mem>>)
    %dma_wait3A_53 = arith.constant 0 : i32
    %dma_wait3A_54 = tpu.memref_slice %arg2[%add3A_15, %dma_wait3A_53] : memref<16384x128xf32, #tpu.memory_space<hbm>> -> memref<128x128xf32, #tpu.memory_space<hbm>>
    %dma_wait3A_55 = arith.constant 0 : i32
    %dma_wait3A_56 = tpu.memref_slice %arg2[%add3A_15, %dma_wait3A_55] : memref<16384x128xf32, #tpu.memory_space<hbm>> -> memref<128x128xf32, #tpu.memory_space<hbm>>
    tpu.wait_dma2 semaphore(%arg18 : memref<!tpu.dma_semaphore, #tpu.memory_space<semaphore_mem>>) src(%dma_wait3A_56 : memref<128x128xf32, #tpu.memory_space<hbm>>) dst(%arg12 : memref<128x128xf32, #tpu.memory_space<vmem>>)
    %dma_wait3A_57 = arith.constant 0 : i32
    %dma_wait3A_58 = tpu.memref_slice %arg4[%add3A_21, %dma_wait3A_57] : memref<16384x128xf32, #tpu.memory_space<hbm>> -> memref<128x128xf32, #tpu.memory_space<hbm>>
    %dma_wait3A_59 = arith.constant 0 : i32
    %dma_wait3A_60 = tpu.memref_slice %arg4[%add3A_21, %dma_wait3A_59] : memref<16384x128xf32, #tpu.memory_space<hbm>> -> memref<128x128xf32, #tpu.memory_space<hbm>>
    tpu.wait_dma2 semaphore(%arg20 : memref<!tpu.dma_semaphore, #tpu.memory_space<semaphore_mem>>) src(%dma_wait3A_60 : memref<128x128xf32, #tpu.memory_space<hbm>>) dst(%arg14 : memref<128x128xf32, #tpu.memory_space<vmem>>)
    %parallel_loop3A_61 = arith.constant 0 : i32
    %parallel_loop3A_62 = arith.constant 128 : i32
    %parallel_loop3A_63 = arith.constant 1 : i32
    scf.for %parallel_loop3A_132 = %parallel_loop3A_61 to %parallel_loop3A_62 step %parallel_loop3A_63  : i32 {
      %parallel_loop3A_133 = arith.constant 128 : i32
      %parallel_loop3A_134 = arith.addi %parallel_loop3A_133, %parallel_loop3A_132 : i32
      %parallel_loop3A_135 = vector.broadcast %parallel_loop3A_134 : i32 to vector<16xi32>
      %parallel_loop3A_136 = tpu.vector_load_idx %arg10[%parallel_loop3A_135] : memref<512xi32, #tpu.memory_space<vmem>>[vector<16xi32>], vector<16xi32>,
      %parallel_loop3A_137 = tpu.vector_load_idx %arg8[%parallel_loop3A_136] : memref<1000xf32, #tpu.memory_space<vmem>>[vector<16xi32>], vector<16xf32>,
      %parallel_loop3A_138 = tpu.vector_load_idx %arg9[%parallel_loop3A_136] : memref<1000xf32, #tpu.memory_space<vmem>>[vector<16xi32>], vector<16xf32>,
      %parallel_loop3A_139 = arith.index_cast %parallel_loop3A_132 : i32 to index
      %parallel_loop3A_140 = arith.constant 0 : index
      %parallel_loop3A_141 = tpu.vector_load %arg12[%parallel_loop3A_139, %parallel_loop3A_140] {strides = array<i32>} : memref<128x128xf32, #tpu.memory_space<vmem>>, vector<16xf32>,
      %parallel_loop3A_142 = arith.mulf %parallel_loop3A_137, %parallel_loop3A_141 : vector<16xf32>
      %parallel_loop3A_143 = arith.index_cast %parallel_loop3A_132 : i32 to index
      %parallel_loop3A_144 = arith.constant 0 : index
      %parallel_loop3A_145 = tpu.vector_load %arg14[%parallel_loop3A_143, %parallel_loop3A_144] {strides = array<i32>} : memref<128x128xf32, #tpu.memory_space<vmem>>, vector<16xf32>,
      %parallel_loop3A_146 = arith.mulf %parallel_loop3A_138, %parallel_loop3A_145 : vector<16xf32>
      %parallel_loop3A_147 = arith.addf %parallel_loop3A_142, %parallel_loop3A_146 : vector<16xf32>
      %parallel_loop3A_148 = arith.index_cast %parallel_loop3A_132 : i32 to index
      %parallel_loop3A_149 = arith.constant 0 : index
      %parallel_loop3A_150 = tpu.vector_load %arg16[%parallel_loop3A_148, %parallel_loop3A_149] {strides = array<i32>} : memref<128x128xf32, #tpu.memory_space<vmem>>, vector<16xf32>,
      tpu.vector_store %arg16[%parallel_loop3A_148, %parallel_loop3A_149], %parallel_loop3A_147 {strides = array<i32>} : memref<128x128xf32, #tpu.memory_space<vmem>>, vector<16xf32>,
      %parallel_loop3A_151 = arith.index_cast %parallel_loop3A_132 : i32 to index
      %parallel_loop3A_152 = arith.constant 16 : index
      %parallel_loop3A_153 = tpu.vector_load %arg12[%parallel_loop3A_151, %parallel_loop3A_152] {strides = array<i32>} : memref<128x128xf32, #tpu.memory_space<vmem>>, vector<16xf32>,
      %parallel_loop3A_154 = arith.mulf %parallel_loop3A_137, %parallel_loop3A_153 : vector<16xf32>
      %parallel_loop3A_155 = arith.index_cast %parallel_loop3A_132 : i32 to index
      %parallel_loop3A_156 = arith.constant 16 : index
      %parallel_loop3A_157 = tpu.vector_load %arg14[%parallel_loop3A_155, %parallel_loop3A_156] {strides = array<i32>} : memref<128x128xf32, #tpu.memory_space<vmem>>, vector<16xf32>,
      %parallel_loop3A_158 = arith.mulf %parallel_loop3A_138, %parallel_loop3A_157 : vector<16xf32>
      %parallel_loop3A_159 = arith.addf %parallel_loop3A_154, %parallel_loop3A_158 : vector<16xf32>
      %parallel_loop3A_160 = arith.index_cast %parallel_loop3A_132 : i32 to index
      %parallel_loop3A_161 = arith.constant 16 : index
      %parallel_loop3A_162 = tpu.vector_load %arg16[%parallel_loop3A_160, %parallel_loop3A_161] {strides = array<i32>} : memref<128x128xf32, #tpu.memory_space<vmem>>, vector<16xf32>,
      tpu.vector_store %arg16[%parallel_loop3A_160, %parallel_loop3A_161], %parallel_loop3A_159 {strides = array<i32>} : memref<128x128xf32, #tpu.memory_space<vmem>>, vector<16xf32>,
      %parallel_loop3A_163 = arith.index_cast %parallel_loop3A_132 : i32 to index
      %parallel_loop3A_164 = arith.constant 32 : index
      %parallel_loop3A_165 = tpu.vector_load %arg12[%parallel_loop3A_163, %parallel_loop3A_164] {strides = array<i32>} : memref<128x128xf32, #tpu.memory_space<vmem>>, vector<16xf32>,
      %parallel_loop3A_166 = arith.mulf %parallel_loop3A_137, %parallel_loop3A_165 : vector<16xf32>
      %parallel_loop3A_167 = arith.index_cast %parallel_loop3A_132 : i32 to index
      %parallel_loop3A_168 = arith.constant 32 : index
      %parallel_loop3A_169 = tpu.vector_load %arg14[%parallel_loop3A_167, %parallel_loop3A_168] {strides = array<i32>} : memref<128x128xf32, #tpu.memory_space<vmem>>, vector<16xf32>,
      %parallel_loop3A_170 = arith.mulf %parallel_loop3A_138, %parallel_loop3A_169 : vector<16xf32>
      %parallel_loop3A_171 = arith.addf %parallel_loop3A_166, %parallel_loop3A_170 : vector<16xf32>
      %parallel_loop3A_172 = arith.index_cast %parallel_loop3A_132 : i32 to index
      %parallel_loop3A_173 = arith.constant 32 : index
      %parallel_loop3A_174 = tpu.vector_load %arg16[%parallel_loop3A_172, %parallel_loop3A_173] {strides = array<i32>} : memref<128x128xf32, #tpu.memory_space<vmem>>, vector<16xf32>,
      tpu.vector_store %arg16[%parallel_loop3A_172, %parallel_loop3A_173], %parallel_loop3A_171 {strides = array<i32>} : memref<128x128xf32, #tpu.memory_space<vmem>>, vector<16xf32>,
      %parallel_loop3A_175 = arith.index_cast %parallel_loop3A_132 : i32 to index
      %parallel_loop3A_176 = arith.constant 48 : index
      %parallel_loop3A_177 = tpu.vector_load %arg12[%parallel_loop3A_175, %parallel_loop3A_176] {strides = array<i32>} : memref<128x128xf32, #tpu.memory_space<vmem>>, vector<16xf32>,
      %parallel_loop3A_178 = arith.mulf %parallel_loop3A_137, %parallel_loop3A_177 : vector<16xf32>
      %parallel_loop3A_179 = arith.index_cast %parallel_loop3A_132 : i32 to index
      %parallel_loop3A_180 = arith.constant 48 : index
      %parallel_loop3A_181 = tpu.vector_load %arg14[%parallel_loop3A_179, %parallel_loop3A_180] {strides = array<i32>} : memref<128x128xf32, #tpu.memory_space<vmem>>, vector<16xf32>,
      %parallel_loop3A_182 = arith.mulf %parallel_loop3A_138, %parallel_loop3A_181 : vector<16xf32>
      %parallel_loop3A_183 = arith.addf %parallel_loop3A_178, %parallel_loop3A_182 : vector<16xf32>
      %parallel_loop3A_184 = arith.index_cast %parallel_loop3A_132 : i32 to index
      %parallel_loop3A_185 = arith.constant 48 : index
      %parallel_loop3A_186 = tpu.vector_load %arg16[%parallel_loop3A_184, %parallel_loop3A_185] {strides = array<i32>} : memref<128x128xf32, #tpu.memory_space<vmem>>, vector<16xf32>,
      tpu.vector_store %arg16[%parallel_loop3A_184, %parallel_loop3A_185], %parallel_loop3A_183 {strides = array<i32>} : memref<128x128xf32, #tpu.memory_space<vmem>>, vector<16xf32>,
      %parallel_loop3A_187 = arith.index_cast %parallel_loop3A_132 : i32 to index
      %parallel_loop3A_188 = arith.constant 64 : index
      %parallel_loop3A_189 = tpu.vector_load %arg12[%parallel_loop3A_187, %parallel_loop3A_188] {strides = array<i32>} : memref<128x128xf32, #tpu.memory_space<vmem>>, vector<16xf32>,
      %parallel_loop3A_190 = arith.mulf %parallel_loop3A_137, %parallel_loop3A_189 : vector<16xf32>
      %parallel_loop3A_191 = arith.index_cast %parallel_loop3A_132 : i32 to index
      %parallel_loop3A_192 = arith.constant 64 : index
      %parallel_loop3A_193 = tpu.vector_load %arg14[%parallel_loop3A_191, %parallel_loop3A_192] {strides = array<i32>} : memref<128x128xf32, #tpu.memory_space<vmem>>, vector<16xf32>,
      %parallel_loop3A_194 = arith.mulf %parallel_loop3A_138, %parallel_loop3A_193 : vector<16xf32>
      %parallel_loop3A_195 = arith.addf %parallel_loop3A_190, %parallel_loop3A_194 : vector<16xf32>
      %parallel_loop3A_196 = arith.index_cast %parallel_loop3A_132 : i32 to index
      %parallel_loop3A_197 = arith.constant 64 : index
      %parallel_loop3A_198 = tpu.vector_load %arg16[%parallel_loop3A_196, %parallel_loop3A_197] {strides = array<i32>} : memref<128x128xf32, #tpu.memory_space<vmem>>, vector<16xf32>,
      tpu.vector_store %arg16[%parallel_loop3A_196, %parallel_loop3A_197], %parallel_loop3A_195 {strides = array<i32>} : memref<128x128xf32, #tpu.memory_space<vmem>>, vector<16xf32>,
      %parallel_loop3A_199 = arith.index_cast %parallel_loop3A_132 : i32 to index
      %parallel_loop3A_200 = arith.constant 80 : index
      %parallel_loop3A_201 = tpu.vector_load %arg12[%parallel_loop3A_199, %parallel_loop3A_200] {strides = array<i32>} : memref<128x128xf32, #tpu.memory_space<vmem>>, vector<16xf32>,
      %parallel_loop3A_202 = arith.mulf %parallel_loop3A_137, %parallel_loop3A_201 : vector<16xf32>
      %parallel_loop3A_203 = arith.index_cast %parallel_loop3A_132 : i32 to index
      %parallel_loop3A_204 = arith.constant 80 : index
      %parallel_loop3A_205 = tpu.vector_load %arg14[%parallel_loop3A_203, %parallel_loop3A_204] {strides = array<i32>} : memref<128x128xf32, #tpu.memory_space<vmem>>, vector<16xf32>,
      %parallel_loop3A_206 = arith.mulf %parallel_loop3A_138, %parallel_loop3A_205 : vector<16xf32>
      %parallel_loop3A_207 = arith.addf %parallel_loop3A_202, %parallel_loop3A_206 : vector<16xf32>
      %parallel_loop3A_208 = arith.index_cast %parallel_loop3A_132 : i32 to index
      %parallel_loop3A_209 = arith.constant 80 : index
      %parallel_loop3A_210 = tpu.vector_load %arg16[%parallel_loop3A_208, %parallel_loop3A_209] {strides = array<i32>} : memref<128x128xf32, #tpu.memory_space<vmem>>, vector<16xf32>,
      tpu.vector_store %arg16[%parallel_loop3A_208, %parallel_loop3A_209], %parallel_loop3A_207 {strides = array<i32>} : memref<128x128xf32, #tpu.memory_space<vmem>>, vector<16xf32>,
      %parallel_loop3A_211 = arith.index_cast %parallel_loop3A_132 : i32 to index
      %parallel_loop3A_212 = arith.constant 96 : index
      %parallel_loop3A_213 = tpu.vector_load %arg12[%parallel_loop3A_211, %parallel_loop3A_212] {strides = array<i32>} : memref<128x128xf32, #tpu.memory_space<vmem>>, vector<16xf32>,
      %parallel_loop3A_214 = arith.mulf %parallel_loop3A_137, %parallel_loop3A_213 : vector<16xf32>
      %parallel_loop3A_215 = arith.index_cast %parallel_loop3A_132 : i32 to index
      %parallel_loop3A_216 = arith.constant 96 : index
      %parallel_loop3A_217 = tpu.vector_load %arg14[%parallel_loop3A_215, %parallel_loop3A_216] {strides = array<i32>} : memref<128x128xf32, #tpu.memory_space<vmem>>, vector<16xf32>,
      %parallel_loop3A_218 = arith.mulf %parallel_loop3A_138, %parallel_loop3A_217 : vector<16xf32>
      %parallel_loop3A_219 = arith.addf %parallel_loop3A_214, %parallel_loop3A_218 : vector<16xf32>
      %parallel_loop3A_220 = arith.index_cast %parallel_loop3A_132 : i32 to index
      %parallel_loop3A_221 = arith.constant 96 : index
      %parallel_loop3A_222 = tpu.vector_load %arg16[%parallel_loop3A_220, %parallel_loop3A_221] {strides = array<i32>} : memref<128x128xf32, #tpu.memory_space<vmem>>, vector<16xf32>,
      tpu.vector_store %arg16[%parallel_loop3A_220, %parallel_loop3A_221], %parallel_loop3A_219 {strides = array<i32>} : memref<128x128xf32, #tpu.memory_space<vmem>>, vector<16xf32>,
      %parallel_loop3A_223 = arith.index_cast %parallel_loop3A_132 : i32 to index
      %parallel_loop3A_224 = arith.constant 112 : index
      %parallel_loop3A_225 = tpu.vector_load %arg12[%parallel_loop3A_223, %parallel_loop3A_224] {strides = array<i32>} : memref<128x128xf32, #tpu.memory_space<vmem>>, vector<16xf32>,
      %parallel_loop3A_226 = arith.mulf %parallel_loop3A_137, %parallel_loop3A_225 : vector<16xf32>
      %parallel_loop3A_227 = arith.index_cast %parallel_loop3A_132 : i32 to index
      %parallel_loop3A_228 = arith.constant 112 : index
      %parallel_loop3A_229 = tpu.vector_load %arg14[%parallel_loop3A_227, %parallel_loop3A_228] {strides = array<i32>} : memref<128x128xf32, #tpu.memory_space<vmem>>, vector<16xf32>,
      %parallel_loop3A_230 = arith.mulf %parallel_loop3A_138, %parallel_loop3A_229 : vector<16xf32>
      %parallel_loop3A_231 = arith.addf %parallel_loop3A_226, %parallel_loop3A_230 : vector<16xf32>
      %parallel_loop3A_232 = arith.index_cast %parallel_loop3A_132 : i32 to index
      %parallel_loop3A_233 = arith.constant 112 : index
      %parallel_loop3A_234 = tpu.vector_load %arg16[%parallel_loop3A_232, %parallel_loop3A_233] {strides = array<i32>} : memref<128x128xf32, #tpu.memory_space<vmem>>, vector<16xf32>,
      tpu.vector_store %arg16[%parallel_loop3A_232, %parallel_loop3A_233], %parallel_loop3A_231 {strides = array<i32>} : memref<128x128xf32, #tpu.memory_space<vmem>>, vector<16xf32>,
    } {sc.loop_unroll_factor = 1 : i64, sc.parallel_access}
    %add3A_64 = arith.constant 128 : i32
    %add3A_65 = arith.addi %mul3A_2, %add3A_64 : i32
    %dma_start3A_66 = arith.constant 0 : i32
    %dma_start3A_67 = tpu.memref_slice %arg7[%add3A_65, %dma_start3A_66] : memref<16384x128xf32, #tpu.memory_space<hbm>> -> memref<128x128xf32, #tpu.memory_space<hbm>>
    %dma_start3A_68 = arith.constant 0 : i32
    %dma_start3A_69 = tpu.memref_slice %arg7[%add3A_65, %dma_start3A_68] : memref<16384x128xf32, #tpu.memory_space<hbm>> -> memref<128x128xf32, #tpu.memory_space<hbm>>
    tpu.enqueue_dma source(%arg16 : memref<128x128xf32, #tpu.memory_space<vmem>>) target(%dma_start3A_69 : memref<128x128xf32, #tpu.memory_space<hbm>>) target_semaphore(%arg22 : memref<!tpu.dma_semaphore, #tpu.memory_space<semaphore_mem>>)
    %add3A_70 = arith.constant 384 : i32
    %add3A_71 = arith.addi %mul3A_2, %add3A_70 : i32
    %dma_start3A_72 = arith.constant 0 : i32
    %dma_start3A_73 = tpu.memref_slice %arg2[%add3A_71, %dma_start3A_72] : memref<16384x128xf32, #tpu.memory_space<hbm>> -> memref<128x128xf32, #tpu.memory_space<hbm>>
    %dma_start3A_74 = arith.constant 0 : i32
    %dma_start3A_75 = tpu.memref_slice %arg2[%add3A_71, %dma_start3A_74] : memref<16384x128xf32, #tpu.memory_space<hbm>> -> memref<128x128xf32, #tpu.memory_space<hbm>>
    tpu.enqueue_dma source(%dma_start3A_75 : memref<128x128xf32, #tpu.memory_space<hbm>>) target(%arg12 : memref<128x128xf32, #tpu.memory_space<vmem>>) target_semaphore(%arg18 : memref<!tpu.dma_semaphore, #tpu.memory_space<semaphore_mem>>)
    %add3A_76 = arith.constant 384 : i32
    %add3A_77 = arith.addi %mul3A_2, %add3A_76 : i32
    %dma_start3A_78 = arith.constant 0 : i32
    %dma_start3A_79 = tpu.memref_slice %arg4[%add3A_77, %dma_start3A_78] : memref<16384x128xf32, #tpu.memory_space<hbm>> -> memref<128x128xf32, #tpu.memory_space<hbm>>
    %dma_start3A_80 = arith.constant 0 : i32
    %dma_start3A_81 = tpu.memref_slice %arg4[%add3A_77, %dma_start3A_80] : memref<16384x128xf32, #tpu.memory_space<hbm>> -> memref<128x128xf32, #tpu.memory_space<hbm>>
    tpu.enqueue_dma source(%dma_start3A_81 : memref<128x128xf32, #tpu.memory_space<hbm>>) target(%arg14 : memref<128x128xf32, #tpu.memory_space<vmem>>) target_semaphore(%arg20 : memref<!tpu.dma_semaphore, #tpu.memory_space<semaphore_mem>>)
    %dma_wait3A_82 = arith.constant 0 : i32
    %dma_wait3A_83 = tpu.memref_slice %arg2[%add3A_42, %dma_wait3A_82] : memref<16384x128xf32, #tpu.memory_space<hbm>> -> memref<128x128xf32, #tpu.memory_space<hbm>>
    %dma_wait3A_84 = arith.constant 0 : i32
    %dma_wait3A_85 = tpu.memref_slice %arg2[%add3A_42, %dma_wait3A_84] : memref<16384x128xf32, #tpu.memory_space<hbm>> -> memref<128x128xf32, #tpu.memory_space<hbm>>
    tpu.wait_dma2 semaphore(%arg17 : memref<!tpu.dma_semaphore, #tpu.memory_space<semaphore_mem>>) src(%dma_wait3A_85 : memref<128x128xf32, #tpu.memory_space<hbm>>) dst(%arg11 : memref<128x128xf32, #tpu.memory_space<vmem>>)
    %dma_wait3A_86 = arith.constant 0 : i32
    %dma_wait3A_87 = tpu.memref_slice %arg4[%add3A_48, %dma_wait3A_86] : memref<16384x128xf32, #tpu.memory_space<hbm>> -> memref<128x128xf32, #tpu.memory_space<hbm>>
    %dma_wait3A_88 = arith.constant 0 : i32
    %dma_wait3A_89 = tpu.memref_slice %arg4[%add3A_48, %dma_wait3A_88] : memref<16384x128xf32, #tpu.memory_space<hbm>> -> memref<128x128xf32, #tpu.memory_space<hbm>>
    tpu.wait_dma2 semaphore(%arg19 : memref<!tpu.dma_semaphore, #tpu.memory_space<semaphore_mem>>) src(%dma_wait3A_89 : memref<128x128xf32, #tpu.memory_space<hbm>>) dst(%arg13 : memref<128x128xf32, #tpu.memory_space<vmem>>)
    %dma_wait3A_90 = arith.constant 0 : i32
    %dma_wait3A_91 = tpu.memref_slice %arg7[%add3A_36, %dma_wait3A_90] : memref<16384x128xf32, #tpu.memory_space<hbm>> -> memref<128x128xf32, #tpu.memory_space<hbm>>
    %dma_wait3A_92 = arith.constant 0 : i32
    %dma_wait3A_93 = tpu.memref_slice %arg7[%add3A_36, %dma_wait3A_92] : memref<16384x128xf32, #tpu.memory_space<hbm>> -> memref<128x128xf32, #tpu.memory_space<hbm>>
    tpu.wait_dma2 semaphore(%arg21 : memref<!tpu.dma_semaphore, #tpu.memory_space<semaphore_mem>>) src(%arg15 : memref<128x128xf32, #tpu.memory_space<vmem>>) dst(%dma_wait3A_93 : memref<128x128xf32, #tpu.memory_space<hbm>>)
    %parallel_loop3A_94 = arith.constant 0 : i32
    %parallel_loop3A_95 = arith.constant 128 : i32
    %parallel_loop3A_96 = arith.constant 1 : i32
    scf.for %parallel_loop3A_132 = %parallel_loop3A_94 to %parallel_loop3A_95 step %parallel_loop3A_96  : i32 {
      %parallel_loop3A_133 = arith.constant 256 : i32
      %parallel_loop3A_134 = arith.addi %parallel_loop3A_133, %parallel_loop3A_132 : i32
      %parallel_loop3A_135 = vector.broadcast %parallel_loop3A_134 : i32 to vector<16xi32>
      %parallel_loop3A_136 = tpu.vector_load_idx %arg10[%parallel_loop3A_135] : memref<512xi32, #tpu.memory_space<vmem>>[vector<16xi32>], vector<16xi32>,
      %parallel_loop3A_137 = tpu.vector_load_idx %arg8[%parallel_loop3A_136] : memref<1000xf32, #tpu.memory_space<vmem>>[vector<16xi32>], vector<16xf32>,
      %parallel_loop3A_138 = tpu.vector_load_idx %arg9[%parallel_loop3A_136] : memref<1000xf32, #tpu.memory_space<vmem>>[vector<16xi32>], vector<16xf32>,
      %parallel_loop3A_139 = arith.index_cast %parallel_loop3A_132 : i32 to index
      %parallel_loop3A_140 = arith.constant 0 : index
      %parallel_loop3A_141 = tpu.vector_load %arg11[%parallel_loop3A_139, %parallel_loop3A_140] {strides = array<i32>} : memref<128x128xf32, #tpu.memory_space<vmem>>, vector<16xf32>,
      %parallel_loop3A_142 = arith.mulf %parallel_loop3A_137, %parallel_loop3A_141 : vector<16xf32>
      %parallel_loop3A_143 = arith.index_cast %parallel_loop3A_132 : i32 to index
      %parallel_loop3A_144 = arith.constant 0 : index
      %parallel_loop3A_145 = tpu.vector_load %arg13[%parallel_loop3A_143, %parallel_loop3A_144] {strides = array<i32>} : memref<128x128xf32, #tpu.memory_space<vmem>>, vector<16xf32>,
      %parallel_loop3A_146 = arith.mulf %parallel_loop3A_138, %parallel_loop3A_145 : vector<16xf32>
      %parallel_loop3A_147 = arith.addf %parallel_loop3A_142, %parallel_loop3A_146 : vector<16xf32>
      %parallel_loop3A_148 = arith.index_cast %parallel_loop3A_132 : i32 to index
      %parallel_loop3A_149 = arith.constant 0 : index
      %parallel_loop3A_150 = tpu.vector_load %arg15[%parallel_loop3A_148, %parallel_loop3A_149] {strides = array<i32>} : memref<128x128xf32, #tpu.memory_space<vmem>>, vector<16xf32>,
      tpu.vector_store %arg15[%parallel_loop3A_148, %parallel_loop3A_149], %parallel_loop3A_147 {strides = array<i32>} : memref<128x128xf32, #tpu.memory_space<vmem>>, vector<16xf32>,
      %parallel_loop3A_151 = arith.index_cast %parallel_loop3A_132 : i32 to index
      %parallel_loop3A_152 = arith.constant 16 : index
      %parallel_loop3A_153 = tpu.vector_load %arg11[%parallel_loop3A_151, %parallel_loop3A_152] {strides = array<i32>} : memref<128x128xf32, #tpu.memory_space<vmem>>, vector<16xf32>,
      %parallel_loop3A_154 = arith.mulf %parallel_loop3A_137, %parallel_loop3A_153 : vector<16xf32>
      %parallel_loop3A_155 = arith.index_cast %parallel_loop3A_132 : i32 to index
      %parallel_loop3A_156 = arith.constant 16 : index
      %parallel_loop3A_157 = tpu.vector_load %arg13[%parallel_loop3A_155, %parallel_loop3A_156] {strides = array<i32>} : memref<128x128xf32, #tpu.memory_space<vmem>>, vector<16xf32>,
      %parallel_loop3A_158 = arith.mulf %parallel_loop3A_138, %parallel_loop3A_157 : vector<16xf32>
      %parallel_loop3A_159 = arith.addf %parallel_loop3A_154, %parallel_loop3A_158 : vector<16xf32>
      %parallel_loop3A_160 = arith.index_cast %parallel_loop3A_132 : i32 to index
      %parallel_loop3A_161 = arith.constant 16 : index
      %parallel_loop3A_162 = tpu.vector_load %arg15[%parallel_loop3A_160, %parallel_loop3A_161] {strides = array<i32>} : memref<128x128xf32, #tpu.memory_space<vmem>>, vector<16xf32>,
      tpu.vector_store %arg15[%parallel_loop3A_160, %parallel_loop3A_161], %parallel_loop3A_159 {strides = array<i32>} : memref<128x128xf32, #tpu.memory_space<vmem>>, vector<16xf32>,
      %parallel_loop3A_163 = arith.index_cast %parallel_loop3A_132 : i32 to index
      %parallel_loop3A_164 = arith.constant 32 : index
      %parallel_loop3A_165 = tpu.vector_load %arg11[%parallel_loop3A_163, %parallel_loop3A_164] {strides = array<i32>} : memref<128x128xf32, #tpu.memory_space<vmem>>, vector<16xf32>,
      %parallel_loop3A_166 = arith.mulf %parallel_loop3A_137, %parallel_loop3A_165 : vector<16xf32>
      %parallel_loop3A_167 = arith.index_cast %parallel_loop3A_132 : i32 to index
      %parallel_loop3A_168 = arith.constant 32 : index
      %parallel_loop3A_169 = tpu.vector_load %arg13[%parallel_loop3A_167, %parallel_loop3A_168] {strides = array<i32>} : memref<128x128xf32, #tpu.memory_space<vmem>>, vector<16xf32>,
      %parallel_loop3A_170 = arith.mulf %parallel_loop3A_138, %parallel_loop3A_169 : vector<16xf32>
      %parallel_loop3A_171 = arith.addf %parallel_loop3A_166, %parallel_loop3A_170 : vector<16xf32>
      %parallel_loop3A_172 = arith.index_cast %parallel_loop3A_132 : i32 to index
      %parallel_loop3A_173 = arith.constant 32 : index
      %parallel_loop3A_174 = tpu.vector_load %arg15[%parallel_loop3A_172, %parallel_loop3A_173] {strides = array<i32>} : memref<128x128xf32, #tpu.memory_space<vmem>>, vector<16xf32>,
      tpu.vector_store %arg15[%parallel_loop3A_172, %parallel_loop3A_173], %parallel_loop3A_171 {strides = array<i32>} : memref<128x128xf32, #tpu.memory_space<vmem>>, vector<16xf32>,
      %parallel_loop3A_175 = arith.index_cast %parallel_loop3A_132 : i32 to index
      %parallel_loop3A_176 = arith.constant 48 : index
      %parallel_loop3A_177 = tpu.vector_load %arg11[%parallel_loop3A_175, %parallel_loop3A_176] {strides = array<i32>} : memref<128x128xf32, #tpu.memory_space<vmem>>, vector<16xf32>,
      %parallel_loop3A_178 = arith.mulf %parallel_loop3A_137, %parallel_loop3A_177 : vector<16xf32>
      %parallel_loop3A_179 = arith.index_cast %parallel_loop3A_132 : i32 to index
      %parallel_loop3A_180 = arith.constant 48 : index
      %parallel_loop3A_181 = tpu.vector_load %arg13[%parallel_loop3A_179, %parallel_loop3A_180] {strides = array<i32>} : memref<128x128xf32, #tpu.memory_space<vmem>>, vector<16xf32>,
      %parallel_loop3A_182 = arith.mulf %parallel_loop3A_138, %parallel_loop3A_181 : vector<16xf32>
      %parallel_loop3A_183 = arith.addf %parallel_loop3A_178, %parallel_loop3A_182 : vector<16xf32>
      %parallel_loop3A_184 = arith.index_cast %parallel_loop3A_132 : i32 to index
      %parallel_loop3A_185 = arith.constant 48 : index
      %parallel_loop3A_186 = tpu.vector_load %arg15[%parallel_loop3A_184, %parallel_loop3A_185] {strides = array<i32>} : memref<128x128xf32, #tpu.memory_space<vmem>>, vector<16xf32>,
      tpu.vector_store %arg15[%parallel_loop3A_184, %parallel_loop3A_185], %parallel_loop3A_183 {strides = array<i32>} : memref<128x128xf32, #tpu.memory_space<vmem>>, vector<16xf32>,
      %parallel_loop3A_187 = arith.index_cast %parallel_loop3A_132 : i32 to index
      %parallel_loop3A_188 = arith.constant 64 : index
      %parallel_loop3A_189 = tpu.vector_load %arg11[%parallel_loop3A_187, %parallel_loop3A_188] {strides = array<i32>} : memref<128x128xf32, #tpu.memory_space<vmem>>, vector<16xf32>,
      %parallel_loop3A_190 = arith.mulf %parallel_loop3A_137, %parallel_loop3A_189 : vector<16xf32>
      %parallel_loop3A_191 = arith.index_cast %parallel_loop3A_132 : i32 to index
      %parallel_loop3A_192 = arith.constant 64 : index
      %parallel_loop3A_193 = tpu.vector_load %arg13[%parallel_loop3A_191, %parallel_loop3A_192] {strides = array<i32>} : memref<128x128xf32, #tpu.memory_space<vmem>>, vector<16xf32>,
      %parallel_loop3A_194 = arith.mulf %parallel_loop3A_138, %parallel_loop3A_193 : vector<16xf32>
      %parallel_loop3A_195 = arith.addf %parallel_loop3A_190, %parallel_loop3A_194 : vector<16xf32>
      %parallel_loop3A_196 = arith.index_cast %parallel_loop3A_132 : i32 to index
      %parallel_loop3A_197 = arith.constant 64 : index
      %parallel_loop3A_198 = tpu.vector_load %arg15[%parallel_loop3A_196, %parallel_loop3A_197] {strides = array<i32>} : memref<128x128xf32, #tpu.memory_space<vmem>>, vector<16xf32>,
      tpu.vector_store %arg15[%parallel_loop3A_196, %parallel_loop3A_197], %parallel_loop3A_195 {strides = array<i32>} : memref<128x128xf32, #tpu.memory_space<vmem>>, vector<16xf32>,
      %parallel_loop3A_199 = arith.index_cast %parallel_loop3A_132 : i32 to index
      %parallel_loop3A_200 = arith.constant 80 : index
      %parallel_loop3A_201 = tpu.vector_load %arg11[%parallel_loop3A_199, %parallel_loop3A_200] {strides = array<i32>} : memref<128x128xf32, #tpu.memory_space<vmem>>, vector<16xf32>,
      %parallel_loop3A_202 = arith.mulf %parallel_loop3A_137, %parallel_loop3A_201 : vector<16xf32>
      %parallel_loop3A_203 = arith.index_cast %parallel_loop3A_132 : i32 to index
      %parallel_loop3A_204 = arith.constant 80 : index
      %parallel_loop3A_205 = tpu.vector_load %arg13[%parallel_loop3A_203, %parallel_loop3A_204] {strides = array<i32>} : memref<128x128xf32, #tpu.memory_space<vmem>>, vector<16xf32>,
      %parallel_loop3A_206 = arith.mulf %parallel_loop3A_138, %parallel_loop3A_205 : vector<16xf32>
      %parallel_loop3A_207 = arith.addf %parallel_loop3A_202, %parallel_loop3A_206 : vector<16xf32>
      %parallel_loop3A_208 = arith.index_cast %parallel_loop3A_132 : i32 to index
      %parallel_loop3A_209 = arith.constant 80 : index
      %parallel_loop3A_210 = tpu.vector_load %arg15[%parallel_loop3A_208, %parallel_loop3A_209] {strides = array<i32>} : memref<128x128xf32, #tpu.memory_space<vmem>>, vector<16xf32>,
      tpu.vector_store %arg15[%parallel_loop3A_208, %parallel_loop3A_209], %parallel_loop3A_207 {strides = array<i32>} : memref<128x128xf32, #tpu.memory_space<vmem>>, vector<16xf32>,
      %parallel_loop3A_211 = arith.index_cast %parallel_loop3A_132 : i32 to index
      %parallel_loop3A_212 = arith.constant 96 : index
      %parallel_loop3A_213 = tpu.vector_load %arg11[%parallel_loop3A_211, %parallel_loop3A_212] {strides = array<i32>} : memref<128x128xf32, #tpu.memory_space<vmem>>, vector<16xf32>,
      %parallel_loop3A_214 = arith.mulf %parallel_loop3A_137, %parallel_loop3A_213 : vector<16xf32>
      %parallel_loop3A_215 = arith.index_cast %parallel_loop3A_132 : i32 to index
      %parallel_loop3A_216 = arith.constant 96 : index
      %parallel_loop3A_217 = tpu.vector_load %arg13[%parallel_loop3A_215, %parallel_loop3A_216] {strides = array<i32>} : memref<128x128xf32, #tpu.memory_space<vmem>>, vector<16xf32>,
      %parallel_loop3A_218 = arith.mulf %parallel_loop3A_138, %parallel_loop3A_217 : vector<16xf32>
      %parallel_loop3A_219 = arith.addf %parallel_loop3A_214, %parallel_loop3A_218 : vector<16xf32>
      %parallel_loop3A_220 = arith.index_cast %parallel_loop3A_132 : i32 to index
      %parallel_loop3A_221 = arith.constant 96 : index
      %parallel_loop3A_222 = tpu.vector_load %arg15[%parallel_loop3A_220, %parallel_loop3A_221] {strides = array<i32>} : memref<128x128xf32, #tpu.memory_space<vmem>>, vector<16xf32>,
      tpu.vector_store %arg15[%parallel_loop3A_220, %parallel_loop3A_221], %parallel_loop3A_219 {strides = array<i32>} : memref<128x128xf32, #tpu.memory_space<vmem>>, vector<16xf32>,
      %parallel_loop3A_223 = arith.index_cast %parallel_loop3A_132 : i32 to index
      %parallel_loop3A_224 = arith.constant 112 : index
      %parallel_loop3A_225 = tpu.vector_load %arg11[%parallel_loop3A_223, %parallel_loop3A_224] {strides = array<i32>} : memref<128x128xf32, #tpu.memory_space<vmem>>, vector<16xf32>,
      %parallel_loop3A_226 = arith.mulf %parallel_loop3A_137, %parallel_loop3A_225 : vector<16xf32>
      %parallel_loop3A_227 = arith.index_cast %parallel_loop3A_132 : i32 to index
      %parallel_loop3A_228 = arith.constant 112 : index
      %parallel_loop3A_229 = tpu.vector_load %arg13[%parallel_loop3A_227, %parallel_loop3A_228] {strides = array<i32>} : memref<128x128xf32, #tpu.memory_space<vmem>>, vector<16xf32>,
      %parallel_loop3A_230 = arith.mulf %parallel_loop3A_138, %parallel_loop3A_229 : vector<16xf32>
      %parallel_loop3A_231 = arith.addf %parallel_loop3A_226, %parallel_loop3A_230 : vector<16xf32>
      %parallel_loop3A_232 = arith.index_cast %parallel_loop3A_132 : i32 to index
      %parallel_loop3A_233 = arith.constant 112 : index
      %parallel_loop3A_234 = tpu.vector_load %arg15[%parallel_loop3A_232, %parallel_loop3A_233] {strides = array<i32>} : memref<128x128xf32, #tpu.memory_space<vmem>>, vector<16xf32>,
      tpu.vector_store %arg15[%parallel_loop3A_232, %parallel_loop3A_233], %parallel_loop3A_231 {strides = array<i32>} : memref<128x128xf32, #tpu.memory_space<vmem>>, vector<16xf32>,
    } {sc.loop_unroll_factor = 1 : i64, sc.parallel_access}
    %add3A_97 = arith.constant 256 : i32
    %add3A_98 = arith.addi %mul3A_2, %add3A_97 : i32
    %dma_start3A_99 = arith.constant 0 : i32
    %dma_start3A_100 = tpu.memref_slice %arg7[%add3A_98, %dma_start3A_99] : memref<16384x128xf32, #tpu.memory_space<hbm>> -> memref<128x128xf32, #tpu.memory_space<hbm>>
    %dma_start3A_101 = arith.constant 0 : i32
    %dma_start3A_102 = tpu.memref_slice %arg7[%add3A_98, %dma_start3A_101] : memref<16384x128xf32, #tpu.memory_space<hbm>> -> memref<128x128xf32, #tpu.memory_space<hbm>>
    tpu.enqueue_dma source(%arg15 : memref<128x128xf32, #tpu.memory_space<vmem>>) target(%dma_start3A_102 : memref<128x128xf32, #tpu.memory_space<hbm>>) target_semaphore(%arg21 : memref<!tpu.dma_semaphore, #tpu.memory_space<semaphore_mem>>)
    %dma_wait3A_103 = arith.constant 0 : i32
    %dma_wait3A_104 = tpu.memref_slice %arg2[%add3A_71, %dma_wait3A_103] : memref<16384x128xf32, #tpu.memory_space<hbm>> -> memref<128x128xf32, #tpu.memory_space<hbm>>
    %dma_wait3A_105 = arith.constant 0 : i32
    %dma_wait3A_106 = tpu.memref_slice %arg2[%add3A_71, %dma_wait3A_105] : memref<16384x128xf32, #tpu.memory_space<hbm>> -> memref<128x128xf32, #tpu.memory_space<hbm>>
    tpu.wait_dma2 semaphore(%arg18 : memref<!tpu.dma_semaphore, #tpu.memory_space<semaphore_mem>>) src(%dma_wait3A_106 : memref<128x128xf32, #tpu.memory_space<hbm>>) dst(%arg12 : memref<128x128xf32, #tpu.memory_space<vmem>>)
    %dma_wait3A_107 = arith.constant 0 : i32
    %dma_wait3A_108 = tpu.memref_slice %arg4[%add3A_77, %dma_wait3A_107] : memref<16384x128xf32, #tpu.memory_space<hbm>> -> memref<128x128xf32, #tpu.memory_space<hbm>>
    %dma_wait3A_109 = arith.constant 0 : i32
    %dma_wait3A_110 = tpu.memref_slice %arg4[%add3A_77, %dma_wait3A_109] : memref<16384x128xf32, #tpu.memory_space<hbm>> -> memref<128x128xf32, #tpu.memory_space<hbm>>
    tpu.wait_dma2 semaphore(%arg20 : memref<!tpu.dma_semaphore, #tpu.memory_space<semaphore_mem>>) src(%dma_wait3A_110 : memref<128x128xf32, #tpu.memory_space<hbm>>) dst(%arg14 : memref<128x128xf32, #tpu.memory_space<vmem>>)
    %dma_wait3A_111 = arith.constant 0 : i32
    %dma_wait3A_112 = tpu.memref_slice %arg7[%add3A_65, %dma_wait3A_111] : memref<16384x128xf32, #tpu.memory_space<hbm>> -> memref<128x128xf32, #tpu.memory_space<hbm>>
    %dma_wait3A_113 = arith.constant 0 : i32
    %dma_wait3A_114 = tpu.memref_slice %arg7[%add3A_65, %dma_wait3A_113] : memref<16384x128xf32, #tpu.memory_space<hbm>> -> memref<128x128xf32, #tpu.memory_space<hbm>>
    tpu.wait_dma2 semaphore(%arg22 : memref<!tpu.dma_semaphore, #tpu.memory_space<semaphore_mem>>) src(%arg16 : memref<128x128xf32, #tpu.memory_space<vmem>>) dst(%dma_wait3A_114 : memref<128x128xf32, #tpu.memory_space<hbm>>)
    %parallel_loop3A_115 = arith.constant 0 : i32
    %parallel_loop3A_116 = arith.constant 128 : i32
    %parallel_loop3A_117 = arith.constant 1 : i32
    scf.for %parallel_loop3A_132 = %parallel_loop3A_115 to %parallel_loop3A_116 step %parallel_loop3A_117  : i32 {
      %parallel_loop3A_133 = arith.constant 384 : i32
      %parallel_loop3A_134 = arith.addi %parallel_loop3A_133, %parallel_loop3A_132 : i32
      %parallel_loop3A_135 = vector.broadcast %parallel_loop3A_134 : i32 to vector<16xi32>
      %parallel_loop3A_136 = tpu.vector_load_idx %arg10[%parallel_loop3A_135] : memref<512xi32, #tpu.memory_space<vmem>>[vector<16xi32>], vector<16xi32>,
      %parallel_loop3A_137 = tpu.vector_load_idx %arg8[%parallel_loop3A_136] : memref<1000xf32, #tpu.memory_space<vmem>>[vector<16xi32>], vector<16xf32>,
      %parallel_loop3A_138 = tpu.vector_load_idx %arg9[%parallel_loop3A_136] : memref<1000xf32, #tpu.memory_space<vmem>>[vector<16xi32>], vector<16xf32>,
      %parallel_loop3A_139 = arith.index_cast %parallel_loop3A_132 : i32 to index
      %parallel_loop3A_140 = arith.constant 0 : index
      %parallel_loop3A_141 = tpu.vector_load %arg12[%parallel_loop3A_139, %parallel_loop3A_140] {strides = array<i32>} : memref<128x128xf32, #tpu.memory_space<vmem>>, vector<16xf32>,
      %parallel_loop3A_142 = arith.mulf %parallel_loop3A_137, %parallel_loop3A_141 : vector<16xf32>
      %parallel_loop3A_143 = arith.index_cast %parallel_loop3A_132 : i32 to index
      %parallel_loop3A_144 = arith.constant 0 : index
      %parallel_loop3A_145 = tpu.vector_load %arg14[%parallel_loop3A_143, %parallel_loop3A_144] {strides = array<i32>} : memref<128x128xf32, #tpu.memory_space<vmem>>, vector<16xf32>,
      %parallel_loop3A_146 = arith.mulf %parallel_loop3A_138, %parallel_loop3A_145 : vector<16xf32>
      %parallel_loop3A_147 = arith.addf %parallel_loop3A_142, %parallel_loop3A_146 : vector<16xf32>
      %parallel_loop3A_148 = arith.index_cast %parallel_loop3A_132 : i32 to index
      %parallel_loop3A_149 = arith.constant 0 : index
      %parallel_loop3A_150 = tpu.vector_load %arg16[%parallel_loop3A_148, %parallel_loop3A_149] {strides = array<i32>} : memref<128x128xf32, #tpu.memory_space<vmem>>, vector<16xf32>,
      tpu.vector_store %arg16[%parallel_loop3A_148, %parallel_loop3A_149], %parallel_loop3A_147 {strides = array<i32>} : memref<128x128xf32, #tpu.memory_space<vmem>>, vector<16xf32>,
      %parallel_loop3A_151 = arith.index_cast %parallel_loop3A_132 : i32 to index
      %parallel_loop3A_152 = arith.constant 16 : index
      %parallel_loop3A_153 = tpu.vector_load %arg12[%parallel_loop3A_151, %parallel_loop3A_152] {strides = array<i32>} : memref<128x128xf32, #tpu.memory_space<vmem>>, vector<16xf32>,
      %parallel_loop3A_154 = arith.mulf %parallel_loop3A_137, %parallel_loop3A_153 : vector<16xf32>
      %parallel_loop3A_155 = arith.index_cast %parallel_loop3A_132 : i32 to index
      %parallel_loop3A_156 = arith.constant 16 : index
      %parallel_loop3A_157 = tpu.vector_load %arg14[%parallel_loop3A_155, %parallel_loop3A_156] {strides = array<i32>} : memref<128x128xf32, #tpu.memory_space<vmem>>, vector<16xf32>,
      %parallel_loop3A_158 = arith.mulf %parallel_loop3A_138, %parallel_loop3A_157 : vector<16xf32>
      %parallel_loop3A_159 = arith.addf %parallel_loop3A_154, %parallel_loop3A_158 : vector<16xf32>
      %parallel_loop3A_160 = arith.index_cast %parallel_loop3A_132 : i32 to index
      %parallel_loop3A_161 = arith.constant 16 : index
      %parallel_loop3A_162 = tpu.vector_load %arg16[%parallel_loop3A_160, %parallel_loop3A_161] {strides = array<i32>} : memref<128x128xf32, #tpu.memory_space<vmem>>, vector<16xf32>,
      tpu.vector_store %arg16[%parallel_loop3A_160, %parallel_loop3A_161], %parallel_loop3A_159 {strides = array<i32>} : memref<128x128xf32, #tpu.memory_space<vmem>>, vector<16xf32>,
      %parallel_loop3A_163 = arith.index_cast %parallel_loop3A_132 : i32 to index
      %parallel_loop3A_164 = arith.constant 32 : index
      %parallel_loop3A_165 = tpu.vector_load %arg12[%parallel_loop3A_163, %parallel_loop3A_164] {strides = array<i32>} : memref<128x128xf32, #tpu.memory_space<vmem>>, vector<16xf32>,
      %parallel_loop3A_166 = arith.mulf %parallel_loop3A_137, %parallel_loop3A_165 : vector<16xf32>
      %parallel_loop3A_167 = arith.index_cast %parallel_loop3A_132 : i32 to index
      %parallel_loop3A_168 = arith.constant 32 : index
      %parallel_loop3A_169 = tpu.vector_load %arg14[%parallel_loop3A_167, %parallel_loop3A_168] {strides = array<i32>} : memref<128x128xf32, #tpu.memory_space<vmem>>, vector<16xf32>,
      %parallel_loop3A_170 = arith.mulf %parallel_loop3A_138, %parallel_loop3A_169 : vector<16xf32>
      %parallel_loop3A_171 = arith.addf %parallel_loop3A_166, %parallel_loop3A_170 : vector<16xf32>
      %parallel_loop3A_172 = arith.index_cast %parallel_loop3A_132 : i32 to index
      %parallel_loop3A_173 = arith.constant 32 : index
      %parallel_loop3A_174 = tpu.vector_load %arg16[%parallel_loop3A_172, %parallel_loop3A_173] {strides = array<i32>} : memref<128x128xf32, #tpu.memory_space<vmem>>, vector<16xf32>,
      tpu.vector_store %arg16[%parallel_loop3A_172, %parallel_loop3A_173], %parallel_loop3A_171 {strides = array<i32>} : memref<128x128xf32, #tpu.memory_space<vmem>>, vector<16xf32>,
      %parallel_loop3A_175 = arith.index_cast %parallel_loop3A_132 : i32 to index
      %parallel_loop3A_176 = arith.constant 48 : index
      %parallel_loop3A_177 = tpu.vector_load %arg12[%parallel_loop3A_175, %parallel_loop3A_176] {strides = array<i32>} : memref<128x128xf32, #tpu.memory_space<vmem>>, vector<16xf32>,
      %parallel_loop3A_178 = arith.mulf %parallel_loop3A_137, %parallel_loop3A_177 : vector<16xf32>
      %parallel_loop3A_179 = arith.index_cast %parallel_loop3A_132 : i32 to index
      %parallel_loop3A_180 = arith.constant 48 : index
      %parallel_loop3A_181 = tpu.vector_load %arg14[%parallel_loop3A_179, %parallel_loop3A_180] {strides = array<i32>} : memref<128x128xf32, #tpu.memory_space<vmem>>, vector<16xf32>,
      %parallel_loop3A_182 = arith.mulf %parallel_loop3A_138, %parallel_loop3A_181 : vector<16xf32>
      %parallel_loop3A_183 = arith.addf %parallel_loop3A_178, %parallel_loop3A_182 : vector<16xf32>
      %parallel_loop3A_184 = arith.index_cast %parallel_loop3A_132 : i32 to index
      %parallel_loop3A_185 = arith.constant 48 : index
      %parallel_loop3A_186 = tpu.vector_load %arg16[%parallel_loop3A_184, %parallel_loop3A_185] {strides = array<i32>} : memref<128x128xf32, #tpu.memory_space<vmem>>, vector<16xf32>,
      tpu.vector_store %arg16[%parallel_loop3A_184, %parallel_loop3A_185], %parallel_loop3A_183 {strides = array<i32>} : memref<128x128xf32, #tpu.memory_space<vmem>>, vector<16xf32>,
      %parallel_loop3A_187 = arith.index_cast %parallel_loop3A_132 : i32 to index
      %parallel_loop3A_188 = arith.constant 64 : index
      %parallel_loop3A_189 = tpu.vector_load %arg12[%parallel_loop3A_187, %parallel_loop3A_188] {strides = array<i32>} : memref<128x128xf32, #tpu.memory_space<vmem>>, vector<16xf32>,
      %parallel_loop3A_190 = arith.mulf %parallel_loop3A_137, %parallel_loop3A_189 : vector<16xf32>
      %parallel_loop3A_191 = arith.index_cast %parallel_loop3A_132 : i32 to index
      %parallel_loop3A_192 = arith.constant 64 : index
      %parallel_loop3A_193 = tpu.vector_load %arg14[%parallel_loop3A_191, %parallel_loop3A_192] {strides = array<i32>} : memref<128x128xf32, #tpu.memory_space<vmem>>, vector<16xf32>,
      %parallel_loop3A_194 = arith.mulf %parallel_loop3A_138, %parallel_loop3A_193 : vector<16xf32>
      %parallel_loop3A_195 = arith.addf %parallel_loop3A_190, %parallel_loop3A_194 : vector<16xf32>
      %parallel_loop3A_196 = arith.index_cast %parallel_loop3A_132 : i32 to index
      %parallel_loop3A_197 = arith.constant 64 : index
      %parallel_loop3A_198 = tpu.vector_load %arg16[%parallel_loop3A_196, %parallel_loop3A_197] {strides = array<i32>} : memref<128x128xf32, #tpu.memory_space<vmem>>, vector<16xf32>,
      tpu.vector_store %arg16[%parallel_loop3A_196, %parallel_loop3A_197], %parallel_loop3A_195 {strides = array<i32>} : memref<128x128xf32, #tpu.memory_space<vmem>>, vector<16xf32>,
      %parallel_loop3A_199 = arith.index_cast %parallel_loop3A_132 : i32 to index
      %parallel_loop3A_200 = arith.constant 80 : index
      %parallel_loop3A_201 = tpu.vector_load %arg12[%parallel_loop3A_199, %parallel_loop3A_200] {strides = array<i32>} : memref<128x128xf32, #tpu.memory_space<vmem>>, vector<16xf32>,
      %parallel_loop3A_202 = arith.mulf %parallel_loop3A_137, %parallel_loop3A_201 : vector<16xf32>
      %parallel_loop3A_203 = arith.index_cast %parallel_loop3A_132 : i32 to index
      %parallel_loop3A_204 = arith.constant 80 : index
      %parallel_loop3A_205 = tpu.vector_load %arg14[%parallel_loop3A_203, %parallel_loop3A_204] {strides = array<i32>} : memref<128x128xf32, #tpu.memory_space<vmem>>, vector<16xf32>,
      %parallel_loop3A_206 = arith.mulf %parallel_loop3A_138, %parallel_loop3A_205 : vector<16xf32>
      %parallel_loop3A_207 = arith.addf %parallel_loop3A_202, %parallel_loop3A_206 : vector<16xf32>
      %parallel_loop3A_208 = arith.index_cast %parallel_loop3A_132 : i32 to index
      %parallel_loop3A_209 = arith.constant 80 : index
      %parallel_loop3A_210 = tpu.vector_load %arg16[%parallel_loop3A_208, %parallel_loop3A_209] {strides = array<i32>} : memref<128x128xf32, #tpu.memory_space<vmem>>, vector<16xf32>,
      tpu.vector_store %arg16[%parallel_loop3A_208, %parallel_loop3A_209], %parallel_loop3A_207 {strides = array<i32>} : memref<128x128xf32, #tpu.memory_space<vmem>>, vector<16xf32>,
      %parallel_loop3A_211 = arith.index_cast %parallel_loop3A_132 : i32 to index
      %parallel_loop3A_212 = arith.constant 96 : index
      %parallel_loop3A_213 = tpu.vector_load %arg12[%parallel_loop3A_211, %parallel_loop3A_212] {strides = array<i32>} : memref<128x128xf32, #tpu.memory_space<vmem>>, vector<16xf32>,
      %parallel_loop3A_214 = arith.mulf %parallel_loop3A_137, %parallel_loop3A_213 : vector<16xf32>
      %parallel_loop3A_215 = arith.index_cast %parallel_loop3A_132 : i32 to index
      %parallel_loop3A_216 = arith.constant 96 : index
      %parallel_loop3A_217 = tpu.vector_load %arg14[%parallel_loop3A_215, %parallel_loop3A_216] {strides = array<i32>} : memref<128x128xf32, #tpu.memory_space<vmem>>, vector<16xf32>,
      %parallel_loop3A_218 = arith.mulf %parallel_loop3A_138, %parallel_loop3A_217 : vector<16xf32>
      %parallel_loop3A_219 = arith.addf %parallel_loop3A_214, %parallel_loop3A_218 : vector<16xf32>
      %parallel_loop3A_220 = arith.index_cast %parallel_loop3A_132 : i32 to index
      %parallel_loop3A_221 = arith.constant 96 : index
      %parallel_loop3A_222 = tpu.vector_load %arg16[%parallel_loop3A_220, %parallel_loop3A_221] {strides = array<i32>} : memref<128x128xf32, #tpu.memory_space<vmem>>, vector<16xf32>,
      tpu.vector_store %arg16[%parallel_loop3A_220, %parallel_loop3A_221], %parallel_loop3A_219 {strides = array<i32>} : memref<128x128xf32, #tpu.memory_space<vmem>>, vector<16xf32>,
      %parallel_loop3A_223 = arith.index_cast %parallel_loop3A_132 : i32 to index
      %parallel_loop3A_224 = arith.constant 112 : index
      %parallel_loop3A_225 = tpu.vector_load %arg12[%parallel_loop3A_223, %parallel_loop3A_224] {strides = array<i32>} : memref<128x128xf32, #tpu.memory_space<vmem>>, vector<16xf32>,
      %parallel_loop3A_226 = arith.mulf %parallel_loop3A_137, %parallel_loop3A_225 : vector<16xf32>
      %parallel_loop3A_227 = arith.index_cast %parallel_loop3A_132 : i32 to index
      %parallel_loop3A_228 = arith.constant 112 : index
      %parallel_loop3A_229 = tpu.vector_load %arg14[%parallel_loop3A_227, %parallel_loop3A_228] {strides = array<i32>} : memref<128x128xf32, #tpu.memory_space<vmem>>, vector<16xf32>,
      %parallel_loop3A_230 = arith.mulf %parallel_loop3A_138, %parallel_loop3A_229 : vector<16xf32>
      %parallel_loop3A_231 = arith.addf %parallel_loop3A_226, %parallel_loop3A_230 : vector<16xf32>
      %parallel_loop3A_232 = arith.index_cast %parallel_loop3A_132 : i32 to index
      %parallel_loop3A_233 = arith.constant 112 : index
      %parallel_loop3A_234 = tpu.vector_load %arg16[%parallel_loop3A_232, %parallel_loop3A_233] {strides = array<i32>} : memref<128x128xf32, #tpu.memory_space<vmem>>, vector<16xf32>,
      tpu.vector_store %arg16[%parallel_loop3A_232, %parallel_loop3A_233], %parallel_loop3A_231 {strides = array<i32>} : memref<128x128xf32, #tpu.memory_space<vmem>>, vector<16xf32>,
    } {sc.loop_unroll_factor = 1 : i64, sc.parallel_access}
    %add3A_118 = arith.constant 384 : i32
    %add3A_119 = arith.addi %mul3A_2, %add3A_118 : i32
    %dma_start3A_120 = arith.constant 0 : i32
    %dma_start3A_121 = tpu.memref_slice %arg7[%add3A_119, %dma_start3A_120] : memref<16384x128xf32, #tpu.memory_space<hbm>> -> memref<128x128xf32, #tpu.memory_space<hbm>>
    %dma_start3A_122 = arith.constant 0 : i32
    %dma_start3A_123 = tpu.memref_slice %arg7[%add3A_119, %dma_start3A_122] : memref<16384x128xf32, #tpu.memory_space<hbm>> -> memref<128x128xf32, #tpu.memory_space<hbm>>
    tpu.enqueue_dma source(%arg16 : memref<128x128xf32, #tpu.memory_space<vmem>>) target(%dma_start3A_123 : memref<128x128xf32, #tpu.memory_space<hbm>>) target_semaphore(%arg22 : memref<!tpu.dma_semaphore, #tpu.memory_space<semaphore_mem>>)
    %dma_wait3A_124 = arith.constant 0 : i32
    %dma_wait3A_125 = tpu.memref_slice %arg7[%add3A_98, %dma_wait3A_124] : memref<16384x128xf32, #tpu.memory_space<hbm>> -> memref<128x128xf32, #tpu.memory_space<hbm>>
    %dma_wait3A_126 = arith.constant 0 : i32
    %dma_wait3A_127 = tpu.memref_slice %arg7[%add3A_98, %dma_wait3A_126] : memref<16384x128xf32, #tpu.memory_space<hbm>> -> memref<128x128xf32, #tpu.memory_space<hbm>>
    tpu.wait_dma2 semaphore(%arg21 : memref<!tpu.dma_semaphore, #tpu.memory_space<semaphore_mem>>) src(%arg15 : memref<128x128xf32, #tpu.memory_space<vmem>>) dst(%dma_wait3A_127 : memref<128x128xf32, #tpu.memory_space<hbm>>)
    %dma_wait3A_128 = arith.constant 0 : i32
    %dma_wait3A_129 = tpu.memref_slice %arg7[%add3A_119, %dma_wait3A_128] : memref<16384x128xf32, #tpu.memory_space<hbm>> -> memref<128x128xf32, #tpu.memory_space<hbm>>
    %dma_wait3A_130 = arith.constant 0 : i32
    %dma_wait3A_131 = tpu.memref_slice %arg7[%add3A_119, %dma_wait3A_130] : memref<16384x128xf32, #tpu.memory_space<hbm>> -> memref<128x128xf32, #tpu.memory_space<hbm>>
    tpu.wait_dma2 semaphore(%arg22 : memref<!tpu.dma_semaphore, #tpu.memory_space<semaphore_mem>>) src(%arg16 : memref<128x128xf32, #tpu.memory_space<vmem>>) dst(%dma_wait3A_131 : memref<128x128xf32, #tpu.memory_space<hbm>>)
    return
  }
}

</mosaic_0001>

<sc_bundles>
// kernel: _diffuse.3.cloned.1.call-start
scs
__scs_entry_jumppad:
0x0: {  	(pc) =	sbr.rel $0x88, $3  }
0x1: {  	(tag) =	ssettag $0x0;
	lr =	simm.s32 $0x1  }
0x2: {  	[smem:$0x3F9C] =	sst lr;
	_ =	strace $0xD0000000  }
0x3: {  	_ = 	snop  }
0x4: {  	_ = 	snop  }
0x5: {  	_ = 	snop  }
0x6: {  	_ = 	snop  }
0x7: {  	_ = 	snop  }
__scs_overlays_trampoline_lowered:
0x8: {  	[smem:$0x3FAB] =	sst s0  }
0x9: {  	[smem:$0x3FAC] =	sst s1  }
0xa: {  	[smem:$0x3FAD] =	sst s2  }
0xb: {  	[smem:$0x3FAE] =	sst s3  }
0xc: {  	[smem:$0x3FAF] =	sst s4  }
0xd: {  	[smem:$0x3FB0] =	sst s5  }
0xe: {  	[smem:$0x3FB1] =	sst s6  }
0xf: {  	[smem:$0x3FB2] =	sst s7  }
0x10: {  	[smem:$0x3FB3] =	sst s8  }
0x11: {  	[smem:$0x3FB4] =	sst s9;
	s0 =	simm.s32 @!p0 $0x0  }
0x12: {  	s1 =	sld [smem:$0x3F9A];
	s0 =	simm.s32 @p0 $0x1  }
0x13: {  	[smem:$0x3FB5] =	sst s0;
	s0 =	simm.s32 @!p1 $0x0  }
0x14: {  	s2 =	sld [smem:$0x3F99];
	s0 =	simm.s32 @p1 $0x1  }
0x15: {  	[smem:$0x3FB6] =	sst s0;
	s0 =	simm.s32 @!p2 $0x0  }
0x16: {  	s3 =	sld [smem:$0x3FDB];
	s0 =	simm.s32 @p2 $0x1  }
0x17: {  	s4 =	simm.s32 $0x1BF5;
	[smem:$0x3FB8] =	sst s0  }
0x18: {  	s0 =	sld [smem:$0x3F9B];
	_ =	swait.ge [sflag:s4], $0x0  }
0x19: {  	s7 =	sld [smem:$0x3F9C]  }
0x1a: {  	s8 =	sadd.s32 $0xFFFFE003, lr  }
0x1b: {  	s9 =	sadd.s32 $0xFFFFFEF7, lr;
	s5 =	simm.s32 $0xFFFFFFFF;
	p2 =	slt.u32 s8, $0xFFFFF086  }
0x1c: {  	p1 =	slt.u32 s9, $0xF7A;
	s5 =	simm.s32 @!p2 $0x0  }
0x1d: {  	s5 =	simm.s32 @p1 $0x1;
	p0 =	seq.s32 s7, s2  }
0x1e: {  	s7 =	smul.u32 @!p0 $0xF7A, s2;
	p2 =	seq.s32 @!p0 s5, $0x0  }
0x1f: {  	s9 =	smul.u32 $0xF7A, s1;
	s8 =	simm.s32 @!p0 $0x1BF5;
	p2 =	por !p2, p0  }
0x20: {  	[sflag:s8] =	ssyncset.s32 @!p0 $0xFFFFF086;
	s6 =	sadd.s32 @!p0 s3, s7;
	s7 =	simm.s32 @!p0 $0x108  }
0x21: {  	s3 =	sadd.s32 s3, s9;
	s6 =	sadd.s32 @!p0 $0x88, s6;
	s7 =	simm.s32 @p2 $0x1082  }
0x22: {  	[simem:s7], [sflag:s8] =	dma.local @!p0 [hbm:s6], $0xF7A  }
0x23: {  	s9 =	sor.u32 $0xD0000000, s2;
	s6 =	simm.s32 $0x108;
	_ =	swait.ge @!p0 [sflag:s8], $0x0  }
0x24: {  	s3 =	sadd.s32 $0x88, s3;
	s6 =	simm.s32 @!p1 $0x1082;
	[sflag:s4] =	ssyncset.s32 $0xFFFFF086  }
0x25: {  	[simem:s6], [sflag:s4] =	dma.local [hbm:s3], $0xF7A  }
0x26: {  	[smem:$0x3F9C] =	sst s1;
	(tag) =	ssettag s2;
	_ =	strace s9  }
0x27: {  	s1 =	sld [smem:$0x3FAC]  }
0x28: {  	s2 =	sld [smem:$0x3FAD]  }
0x29: {  	s4 =	sld [smem:$0x3FAF]  }
0x2a: {  	p0 =	seq.s32 s5, $0x0;
	s5 =	sld [smem:$0x3FB0]  }
0x2b: {  	s6 =	sld [smem:$0x3FB1]  }
0x2c: {  	s7 =	sld [smem:$0x3FB2]  }
0x2d: {  	s3 =	simm.s32 $0x108;
	s8 =	sld [smem:$0x3FB3]  }
0x2e: {  	s3 =	simm.s32 @!p0 $0x1082;
	s9 =	sld [smem:$0x3FB4]  }
0x2f: {  	lr =	sadd.s32 s0, s3;
	s0 =	sld [smem:$0x3FAB]  }
0x30: {  	s3 =	sld [smem:$0x3FAE]  }
0x31: {  	[smem:$0x3FB7] =	sst s10  }
0x32: {  	s10 =	sld [smem:$0x3FB5];
	_ =	sdelay $0x3  }
0x33: {  	p0 =	seq.s32 s10, $0x1;
	s10 =	sld [smem:$0x3FB7];
	_ =	sdelay $0x3  }
0x34: {  	[smem:$0x3FB7] =	sst s10  }
0x35: {  	s10 =	sld [smem:$0x3FB6];
	_ =	sdelay $0x3  }
0x36: {  	p1 =	seq.s32 s10, $0x1;
	s10 =	sld [smem:$0x3FB7];
	_ =	sdelay $0x3  }
0x37: {  	[smem:$0x3FB7] =	sst s10  }
0x38: {  	s10 =	sld [smem:$0x3FB8]  }
0x39: {  	_ = 	snop;
	(pc) =	sbr.ind lr, $3  }
0x3a: {  	_ = 	snop  }
0x3b: {  	_ = 	snop  }
0x3c: {  	p2 =	seq.s32 s10, $0x1;
	s10 =	sld [smem:$0x3FB7]  }
0x3d: {  	_ =	shalt  }
0x3e: {  	_ =	shalt  }
0x3f: {  	_ =	shalt  }
0x40: {  	_ =	shalt  }
0x41: {  	_ =	shalt  }
0x42: {  	_ =	shalt  }
0x43: {  	_ =	shalt  }
0x44: {  	_ =	shalt  }
0x45: {  	_ =	shalt  }
0x46: {  	_ =	shalt  }
0x47: {  	_ =	shalt  }
0x48: {  	_ =	shalt  }
0x49: {  	_ =	shalt  }
0x4a: {  	_ =	shalt  }
0x4b: {  	_ =	shalt  }
0x4c: {  	_ =	shalt  }
0x4d: {  	_ =	shalt  }
0x4e: {  	_ =	shalt  }
0x4f: {  	_ =	shalt  }
0x50: {  	_ =	shalt  }
0x51: {  	_ =	shalt  }
0x52: {  	_ =	shalt  }
0x53: {  	_ =	shalt  }
0x54: {  	_ =	shalt  }
0x55: {  	_ =	shalt  }
0x56: {  	_ =	shalt  }
0x57: {  	_ =	shalt  }
0x58: {  	_ =	shalt  }
0x59: {  	_ =	shalt  }
0x5a: {  	_ =	shalt  }
0x5b: {  	_ =	shalt  }
0x5c: {  	_ =	shalt  }
0x5d: {  	_ =	shalt  }
0x5e: {  	_ =	shalt  }
0x5f: {  	_ =	shalt  }
0x60: {  	_ =	shalt  }
0x61: {  	_ =	shalt  }
0x62: {  	_ =	shalt  }
0x63: {  	_ =	shalt  }
0x64: {  	_ =	shalt  }
0x65: {  	_ =	shalt  }
0x66: {  	_ =	shalt  }
0x67: {  	_ =	shalt  }
0x68: {  	_ =	shalt  }
0x69: {  	_ =	shalt  }
0x6a: {  	_ =	shalt  }
0x6b: {  	_ =	shalt  }
0x6c: {  	_ =	shalt  }
0x6d: {  	_ =	shalt  }
0x6e: {  	_ =	shalt  }
0x6f: {  	_ =	shalt  }
0x70: {  	_ =	shalt  }
0x71: {  	_ =	shalt  }
0x72: {  	_ =	shalt  }
0x73: {  	_ =	shalt  }
0x74: {  	_ =	shalt  }
0x75: {  	_ =	shalt  }
0x76: {  	_ =	shalt  }
0x77: {  	_ =	shalt  }
0x78: {  	_ =	shalt  }
0x79: {  	_ =	shalt  }
0x7a: {  	_ =	shalt  }
0x7b: {  	_ =	shalt  }
0x7c: {  	_ =	shalt  }
0x7d: {  	_ =	shalt  }
0x7e: {  	_ =	shalt  }
0x7f: {  	_ =	shalt  }
0x80: {  	_ =	shalt  }
0x81: {  	_ =	shalt  }
0x82: {  	_ =	shalt  }
0x83: {  	_ =	shalt  }
0x84: {  	_ =	shalt  }
0x85: {  	_ =	shalt  }
0x86: {  	_ =	shalt  }
0x87: {  	_ =	shalt  }
.Lfunc_end0:
.L_simem_size_0:
called_computation_lowered:
.L_overlay_start_0:
0x88: {  	s2 =	sld [smem:$0x3FD9]  }
0x89: {  	s3 =	sld [smem:$0x3FFE];
	_ =	sdelay $0x1  }
0x8a: {  	s1 =	srdreg.scid  }
0x8b: {  	s0 =	sand.u32 $0x1, s1  }
0x8c: {  	s18 =	sshll.u32 s0, $0xA;
	s2 =	sadd.s32 s3, s2  }
0x8d: {  	s2 =	sadd.s32 s2, s18  }
0x8e: {  	[smem:$0x3FC3] =	sst s2  }
0x8f: {  	_ = 	snop  }
0x90: {  	s2 =	sld [smem:$0x3FC9]  }
0x91: {  	s19 =	sld [smem:$0x3FC8]  }
0x92: {  	s4 =	sld [smem:$0x3FC7]  }
0x93: {  	s5 =	sld [smem:$0x3FC6]  }
0x94: {  	s6 =	sld [smem:$0x3FC5]  }
0x95: {  	s7 =	sld [smem:$0x3FD0];
	(tm) =	ssettm $0x1  }
0x96: {  	s8 =	sld [smem:$0x3FFB];
	_ =	sdelay $0x3  }
0x97: {  	_ =	strace s8  }
0x98: {  	s8 =	sld [smem:$0x3FFC];
	_ =	sdelay $0x3  }
0x99: {  	_ =	strace s8  }
0x9a: {  	s8 =	sld [smem:$0x3FFD];
	_ =	sdelay $0x3  }
0x9b: {  	_ =	strace s8  }
0x9c: {  	_ =	strace $0x8FFFFFFF  }
0x9d: {  	s20 =	sld [smem:$0x3FDB];
	_ =	sdelay $0x1  }
0x9e: {  	s9 =	simm.s32 $_scs_section_size  }
0x9f: {  	s10 =	simm.s32 $_size__tile_overlayer_lowered;
	s11 =	simm.s32 $_tile_overlayer_lowered  }
0xa0: {  	s23 =	simm.s32 $0x1BFF;
	s22 =	sshll.u32 s11, $0x1;
	s8 =	sadd.s32 s9, s20  }
0xa1: {  	s12 =	simm.s32 $0x0;
	s21 =	sshll.u32 s10, $0x1;
	s10 =	sadd.s32 s22, s8  }
0xa2: {  	[timem:s12], [sflag:s23] =	dma.local [hbm:s10], s21  }
0xa3: {  	_ =	swait.ge [sflag:s23], s21  }
0xa4: {  	s9 =	ssub.s32 $0x0, s21;
	[sflag:s23] =	ssyncset.done $0x0  }
0xa5: {  	[sflag:s23] =	ssyncadd.s32 s9;
	_ =	sdelay $0x1  }
0xa6: {  	s24 =	simm.s32 $0x1B8B  }
0xa7: {  	_ =	swait.ge [sflag:s24], $0x1  }
0xa8: {  	[sflag:s24] =	ssyncset.done $0x0  }
0xa9: {  	s25 =	simm.s32 $0x1B8E;
	[sflag:s24] =	ssyncadd.s32 $0xFFFFFFFF  }
0xaa: {  	s26 =	simm.s32 $execute0_lowered;
	[smem:$0x3FD2] =	sst s25  }
0xab: {  	s9 =	sshll.u32 s26, $0x1;
	_ =	strace $0x80000046;
	[dreg:$0x1] =	wrdreg $0xFFFFFFFF  }
0xac: {  	s28 =	simm.s32 $_size_execute0_lowered;
	s8 =	sadd.s32 s8, s9;
	[dreg:$0x0] =	wrdreg $0x0  }
0xad: {  	s9 =	sshll.u32 s28, $0x1;
	[dreg:$0x2] =	wrdreg s8  }
0xae: {  	[dreg:$0x3] =	wrdreg s9  }
0xaf: {  	[dreg:$0x4] =	wrdreg $0xC0  }
0xb0: {  	_ =	task [dreg:s12], $0x5FFFF  }
0xb1: {  	[dreg:$0x1] =	wrdreg $0xFFFFFFFF  }
0xb2: {  	[dreg:$0x0] =	wrdreg $0x60  }
0xb3: {  	[dreg:$0x2] =	wrdreg s2  }
0xb4: {  	[dreg:$0x3] =	wrdreg s19  }
0xb5: {  	[dreg:$0x4] =	wrdreg s4  }
0xb6: {  	[dreg:$0x5] =	wrdreg s5  }
0xb7: {  	[dreg:$0x6] =	wrdreg s6  }
0xb8: {  	[dreg:$0x7] =	wrdreg s7  }
0xb9: {  	[dreg:$0x8] =	wrdreg $0x9  }
0xba: {  	_ =	task.clear_ibuf [dreg:s12], $0x9FFFF;
	_ =	strace $0x90000046  }
0xbb: {  	s29 =	simm.s32 $0x9;
	_ =	strace $0x80000048  }
0xbc: {  	_ =	swait.ge [sflag:s29], $0x1  }
0xbd: {  	[sflag:s29] =	ssyncadd.s32 $0xFFFFFFFF  }
0xbe: {  	_ =	strace $0x90000048  }
0xbf: {  	_ =	sfence  }
0xc0: {  	s30 =	sld [smem:$0x0];
	_ =	sdelay $0x2  }
0xc1: {  	s31 =	sshll.u32 s1, $0xD;
	s1 =	sshrl.u32 s1, $0x2  }
0xc2: {  	s3 =	sand.u32 $0x4000, s31;
	s1 =	sadd.s32 s1, s30  }
0xc3: {  	s0 =	sor.u32 s3, s0;
	s1 =	sshll.u32 s1, $0x11  }
0xc4: {  	s0 =	sor.u32 s1, s0  }
0xc5: {  	s0 =	sadd.s32 $0x8F2B, s0  }
0xc6: {  	[sflag:s0] =	ssyncadd.remote.s32 $0x1  }
0xc7: {  	_ =	sfence.sel $0xFFFF  }
0xc8: {  	[dreg:$0x0] =	wrdreg $0xFFFFFFFF;
	(pc) =	sbr.abs _section_cstart, $3  }
0xc9: {  	[dreg:$0x1] =	wrdreg $0xFFFFFFFF  }
0xca: {  	_ =	task.clear_ibuf [dreg:s12], $0x2FFFF;
	_ =	strace $0x9FFFFFFF  }
0xcb: {  	(tm) =	ssettm $0x7FFFFFFF  }
tec
execute0_lowered:
.L_overlay_start_1:
0x0: {  	(tag) =	ssettag $0x1  }
0x1: {  	s0 =	rddreg [dreg:$0x0]  }
0x2: {  	s1 =	rddreg [dreg:$0x1]  }
0x3: {  	s2 =	rddreg [dreg:$0x2];
	s3 =	srdreg.scid  }
0x4: {  	s5 =	rddreg [dreg:$0x5];
	s4 =	stileid.u32;
	s28 =	simm.s32 $0x3  }
0x5: {  	s30 =	simm.s32 $0x2;
	s31 =	simm.s32 $0x4;
	s3 =	sand.u32 $0x1, s3  }
0x6: {  	s6 =	sshll.u32 s4, $0xA;
	s4 =	simm.s32 $0x0;
	s7 =	sshll.u32 s3, $0x9  }
0x7: {  	s3 =	ssub.s32 $0x2, s3;
	[smem:$0x7FF] =	sst s4;
	s6 =	sor.u32 s7, s6  }
0x8: {  	s16 =	sshrl.u32 s3, $0x1;
	_ =	strace $0x80000047;
	s8 =	sshll.u32 s6, $0x4  }
0x9: {  	s3 =	ssub.s32 s3, s16;
	s6 =	sshrl.u32 s6, $0x3;
	s17 =	sadd.s32 s0, s8  }
0xa: {  	s18 =	sadd.s32 s2, s8;
	s19 =	sor.u32 $0x800, s8;
	[dreg:$0x7] =	wrdreg s17  }
0xb: {  	s1 =	sadd.s32 s1, s6;
	s21 =	sor.u32 $0x1000, s8;
	[dreg:$0x8] =	wrdreg s18  }
0xc: {  	s23 =	sadd.s32 s5, s8;
	s29 =	sor.u32 $0x1800, s8;
	[dreg:$0x9] =	wrdreg s1  }
0xd: {  	s20 =	sadd.s32 s0, s19;
	s22 =	sadd.s32 s2, s19;
	[dreg:$0xc] =	wrdreg s23  }
0xe: {  	s24 =	sadd.s32 s0, s21;
	s25 =	sadd.s32 s2, s21;
	s26 =	sadd.s32 s5, s19  }
0xf: {  	s0 =	sadd.s32 s0, s29;
	s15 =	sadd.s32 s2, s29;
	[dreg:$0xa] =	wrdreg s20  }
0x10: {  	s16 =	sadd.s32 s5, s21;
	s17 =	sadd.s32 s5, s29;
	[dreg:$0xb] =	wrdreg s22  }
0x11: {  	s18 =	smax.u32 s3, $0x1;
	s21 =	simm.s32 $0x7;
	[dreg:$0xd] =	wrdreg s24  }
0x12: {  	s23 =	simm.s32 $0x800;
	s1 =	simm.s32 $0x5;
	[dreg:$0xe] =	wrdreg s25  }
0x13: {  	s2 =	simm.s32 $0x6;
	s3 =	simm.s32 $0x0;
	[dreg:$0xf] =	wrdreg s26  }
0x14: {  	[dreg:$0x10] =	wrdreg s0;
	s22 =	simm.s32 $0x400;
	s26 =	simm.s32 $0x1  }
.LBB2_1:
0x15: {  	s0 =	rddreg [dreg:$0x7];
	s5 =	simm.s32 $0xA00  }
0x16: {  	[tilespmem:s5], [sflag:$0x1] =	stream.linear.gather [hbm4b:s0+s4], $0x4000, $0x38;
	[tilespmem:$0x18A00] =	vst v63  }
0x17: {  	s24 =	rddreg [dreg:$0x8];
	s25 =	simm.s32 $0x8A00  }
0x18: {  	[tilespmem:s25], [sflag:$0x3] =	stream.linear.gather [hbm4b:s24+s4], $0x4000, $0x38;
	[tilespmem:$0x18A00] =	vst v63  }
0x19: {  	s5 =	rddreg [dreg:$0x3]  }
0x1a: {  	[tilespmem:s4], [sflag:$0x7] =	stream.linear.gather [hbm4b:s5+s4], $0x400, $0x38;
	[tilespmem:$0x18A00] =	vst v63  }
0x1b: {  	_ =	swait.ge [sflag:s21], $0x400  }
0x1c: {  	[sflag:s21] =	ssyncset.done $0x0  }
0x1d: {  	[sflag:s21] =	ssyncadd.s32 $0xFFFFFC00  }
0x1e: {  	s6 =	rddreg [dreg:$0x4]  }
0x1f: {  	[tilespmem:s22], [sflag:$0x7] =	stream.linear.gather [hbm4b:s6+s4], $0x400, $0x38;
	[tilespmem:$0x18A00] =	vst v63  }
0x20: {  	_ =	swait.ge [sflag:s21], $0x400  }
0x21: {  	[sflag:s21] =	ssyncset.done $0x0  }
0x22: {  	s7 =	rddreg [dreg:$0x9];
	[sflag:s21] =	ssyncadd.s32 $0xFFFFFC00  }
0x23: {  	[tilespmem:s23], [sflag:$0x7] =	stream.linear.gather [hbm4b:s7+s4], $0x200, $0x38;
	[tilespmem:$0x18A00] =	vst v63  }
0x24: {  	_ =	swait.ge [sflag:s21], $0x200  }
0x25: {  	[sflag:s21] =	ssyncset.done $0x0  }
0x26: {  	s9 =	simm.s32 $0x4A00;
	s8 =	rddreg [dreg:$0xa];
	[sflag:s21] =	ssyncadd.s32 $0xFFFFFE00  }
0x27: {  	[tilespmem:s9], [sflag:$0x2] =	stream.linear.gather [hbm4b:s8+s4], $0x4000, $0x38;
	[tilespmem:$0x18A00] =	vst v63  }
0x28: {  	s11 =	simm.s32 $0xCA00;
	s10 =	rddreg [dreg:$0xb]  }
0x29: {  	[tilespmem:s11], [sflag:$0x4] =	stream.linear.gather [hbm4b:s10+s4], $0x4000, $0x38;
	[tilespmem:$0x18A00] =	vst v63  }
0x2a: {  	_ =	swait.ge [sflag:s26], $0x4000  }
0x2b: {  	v0 =	vmov s4;
	[sflag:s26] =	ssyncset.done $0x0  }
0x2c: {  	[sflag:s26] =	ssyncadd.s32 $0xFFFFC000  }
0x2d: {  	_ =	swait.ge [sflag:s28], $0x4000  }
0x2e: {  	[sflag:s28] =	ssyncset.done $0x0  }
0x2f: {  	[sflag:s28] =	ssyncadd.s32 $0xFFFFC000  }
0x30: {  	v1 =	vld.idx.msk [tilespmem:v0+s23+$0x0], $0xffff;
	_ =	sdelay $0x4  }
0x31: {  	s24 =	simm.s32 $0xA40  }
0x32: {  	s25 =	simm.s32 $0x8A40;
	v2 =	vld [tilespmem:s24+$0xFFFFFFC0]  }
0x33: {  	v3 =	vld [tilespmem:s25+$0xFFFFFFC0]  }
0x34: {  	v0 =	vld.idx.msk [tilespmem:v1+s4+$0x0], $0xffff  }
0x35: {  	v1 =	vld.idx.msk [tilespmem:v1+s22+$0x0], $0xffff;
	_ =	sdelay $0x2  }
0x36: {  	s12 =	simm.s32 $0x1  }
0x37: {  	v4 =	vmov s12  }
0x38: {  	v2 =	vmul.f32 v2, v0;
	v3 =	vmul.f32 v3, v1;
	_ =	sdelay $0x1  }
0x39: {  	v2 =	vadd.f32 v3, v2  }
0x3a: {  	s19 =	simm.s32 $0x10A40  }
0x3b: {  	v3 =	vld.idx.msk [tilespmem:v4+s23+$0x0], $0xffff;
	[tilespmem:s19+$0xFFFFFFC0] =	vst v2  }
0x3c: {  	v2 =	vld [tilespmem:s24+$0xFFFFFFD0]  }
0x3d: {  	v4 =	vld [tilespmem:s25+$0xFFFFFFD0];
	_ =	sdelay $0x3  }
0x3e: {  	s5 =	simm.s32 $0xAC0  }
0x3f: {  	s6 =	simm.s32 $0x8AC0;
	v5 =	vld [tilespmem:s5+$0xFFFFFFC0];
	v6 =	vmul.f32 v2, v0;
	v4 =	vmul.f32 v4, v1  }
0x40: {  	v7 =	vld [tilespmem:s6+$0xFFFFFFC0]  }
0x41: {  	v2 =	vld.idx.msk [tilespmem:v3+s4+$0x0], $0xffff;
	v4 =	vadd.f32 v4, v6  }
0x42: {  	v3 =	vld.idx.msk [tilespmem:v3+s22+$0x0], $0xffff  }
0x43: {  	[tilespmem:s19+$0xFFFFFFD0] =	vst v4  }
0x44: {  	v4 =	vld [tilespmem:s24+$0xFFFFFFE0]  }
0x45: {  	s13 =	simm.s32 $0x2;
	v6 =	vld [tilespmem:s25+$0xFFFFFFE0]  }
0x46: {  	v8 =	vmov s13  }
0x47: {  	v5 =	vmul.f32 v5, v2;
	v7 =	vmul.f32 v7, v3;
	_ =	sdelay $0x1  }
0x48: {  	v5 =	vadd.f32 v7, v5  }
0x49: {  	s20 =	simm.s32 $0x10AC0;
	v4 =	vmul.f32 v4, v0;
	v6 =	vmul.f32 v6, v1  }
0x4a: {  	v7 =	vld.idx.msk [tilespmem:v8+s23+$0x0], $0xffff;
	[tilespmem:s20+$0xFFFFFFC0] =	vst v5  }
0x4b: {  	v5 =	vld [tilespmem:s5+$0xFFFFFFD0];
	v4 =	vadd.f32 v6, v4  }
0x4c: {  	v6 =	vld [tilespmem:s6+$0xFFFFFFD0]  }
0x4d: {  	[tilespmem:s19+$0xFFFFFFE0] =	vst v4  }
0x4e: {  	v8 =	vld [tilespmem:s24+$0xFFFFFFF0]  }
0x4f: {  	v9 =	vld [tilespmem:s25+$0xFFFFFFF0]  }
0x50: {  	s29 =	simm.s32 $0xB40  }
0x51: {  	s8 =	simm.s32 $0x8B40;
	v10 =	vld [tilespmem:s29+$0xFFFFFFC0];
	v5 =	vmul.f32 v5, v2;
	v6 =	vmul.f32 v6, v3  }
0x52: {  	v11 =	vld [tilespmem:s8+$0xFFFFFFC0]  }
0x53: {  	v4 =	vld.idx.msk [tilespmem:v7+s4+$0x0], $0xffff;
	v6 =	vadd.f32 v6, v5  }
0x54: {  	v5 =	vld.idx.msk [tilespmem:v7+s22+$0x0], $0xffff;
	v7 =	vmul.f32 v8, v0;
	v8 =	vmul.f32 v9, v1  }
0x55: {  	[tilespmem:s20+$0xFFFFFFD0] =	vst v6  }
0x56: {  	v6 =	vld [tilespmem:s5+$0xFFFFFFE0];
	v7 =	vadd.f32 v8, v7  }
0x57: {  	s14 =	simm.s32 $0x3;
	v8 =	vld [tilespmem:s6+$0xFFFFFFE0]  }
0x58: {  	v9 =	vmov s14;
	[tilespmem:s19+$0xFFFFFFF0] =	vst v7  }
0x59: {  	v7 =	vmul.f32 v10, v4;
	v10 =	vmul.f32 v11, v5;
	v11 =	vld [tilespmem:s24+$0x0]  }
0x5a: {  	v12 =	vld [tilespmem:s25+$0x0]  }
0x5b: {  	v7 =	vadd.f32 v10, v7  }
0x5c: {  	s7 =	simm.s32 $0x10B40;
	v6 =	vmul.f32 v6, v2;
	v8 =	vmul.f32 v8, v3  }
0x5d: {  	v9 =	vld.idx.msk [tilespmem:v9+s23+$0x0], $0xffff;
	[tilespmem:s7+$0xFFFFFFC0] =	vst v7  }
0x5e: {  	v7 =	vld [tilespmem:s29+$0xFFFFFFD0];
	v6 =	vadd.f32 v8, v6  }
0x5f: {  	s0 =	simm.s32 $0xBC0;
	v8 =	vld [tilespmem:s8+$0xFFFFFFD0];
	v10 =	vmul.f32 v11, v0;
	v11 =	vmul.f32 v12, v1  }
0x60: {  	v13 =	vld [tilespmem:s0+$0xFFFFFFC0];
	[tilespmem:s20+$0xFFFFFFE0] =	vst v6  }
0x61: {  	v12 =	vld [tilespmem:s5+$0xFFFFFFF0];
	v6 =	vadd.f32 v11, v10  }
0x62: {  	s9 =	simm.s32 $0x8BC0;
	v10 =	vld [tilespmem:s6+$0xFFFFFFF0]  }
0x63: {  	v11 =	vld [tilespmem:s9+$0xFFFFFFC0];
	[tilespmem:s19+$0x0] =	vst v6  }
0x64: {  	v7 =	vmul.f32 v7, v4;
	v8 =	vmul.f32 v8, v5;
	v14 =	vld [tilespmem:s24+$0x10]  }
0x65: {  	v15 =	vld [tilespmem:s25+$0x10]  }
0x66: {  	v6 =	vld.idx.msk [tilespmem:v9+s4+$0x0], $0xffff;
	v8 =	vadd.f32 v8, v7  }
0x67: {  	v7 =	vld.idx.msk [tilespmem:v9+s22+$0x0], $0xffff;
	v9 =	vmul.f32 v12, v2;
	v10 =	vmul.f32 v10, v3  }
0x68: {  	s10 =	simm.s32 $0x4;
	[tilespmem:s7+$0xFFFFFFD0] =	vst v8  }
0x69: {  	v8 =	vmov s10;
	v16 =	vld [tilespmem:s29+$0xFFFFFFE0];
	v9 =	vadd.f32 v10, v9  }
0x6a: {  	s10 =	simm.s32 $0xC40;
	v17 =	vld [tilespmem:s8+$0xFFFFFFE0];
	v10 =	vmul.f32 v14, v0;
	v14 =	vmul.f32 v15, v1  }
0x6b: {  	v12 =	vld [tilespmem:s10+$0xFFFFFFC0];
	[tilespmem:s20+$0xFFFFFFF0] =	vst v9  }
0x6c: {  	v9 =	vmul.f32 v13, v6;
	v11 =	vmul.f32 v11, v7;
	v13 =	vld [tilespmem:s5+$0x0];
	v14 =	vadd.f32 v14, v10  }
0x6d: {  	v15 =	vld [tilespmem:s6+$0x0]  }
0x6e: {  	v10 =	vld.idx.msk [tilespmem:v8+s23+$0x0], $0xffff;
	v9 =	vadd.f32 v11, v9;
	[tilespmem:s19+$0x10] =	vst v14  }
0x6f: {  	s14 =	simm.s32 $0x10BC0;
	v14 =	vmul.f32 v16, v4;
	v17 =	vmul.f32 v17, v5;
	v8 =	vld [tilespmem:s24+$0x20]  }
0x70: {  	[tilespmem:s14+$0xFFFFFFC0] =	vst v9;
	v11 =	vld [tilespmem:s25+$0x20]  }
0x71: {  	v16 =	vld [tilespmem:s0+$0xFFFFFFD0];
	v9 =	vadd.f32 v17, v14  }
0x72: {  	s12 =	simm.s32 $0x8C40;
	v17 =	vld [tilespmem:s9+$0xFFFFFFD0];
	v13 =	vmul.f32 v13, v2;
	v14 =	vmul.f32 v15, v3  }
0x73: {  	s13 =	simm.s32 $0x5;
	s11 =	simm.s32 $0x10BC0;
	v15 =	vld [tilespmem:s12+$0xFFFFFFC0];
	[tilespmem:s7+$0xFFFFFFE0] =	vst v9  }
.LBB2_2:
0x74: {  	p0 =	sne.s32 s13, $0x7F;
	v9 =	vld [tilespmem:s29+$0xFFFFFFF0];
	v13 =	vadd.f32 v14, v13  }
0x75: {  	v8 =	vmul.f32 v8, v0;
	v14 =	vld [tilespmem:s8+$0xFFFFFFF0];
	v11 =	vmul.f32 v11, v1  }
0x76: {  	v18 =	vld.idx.msk [tilespmem:v10+s4+$0x0], $0xffff;
	[tilespmem:s20+$0x0] =	vst v13  }
0x77: {  	v13 =	vmul.f32 v16, v6;
	v16 =	vmul.f32 v17, v7;
	v17 =	vld [tilespmem:s5+$0x10];
	v8 =	vadd.f32 v11, v8  }
0x78: {  	v11 =	vld [tilespmem:s6+$0x10]  }
0x79: {  	v19 =	vld.idx.msk [tilespmem:v10+s22+$0x0], $0xffff;
	v10 =	vadd.f32 v16, v13;
	[tilespmem:s19+$0x20] =	vst v8  }
0x7a: {  	v8 =	vmul.f32 v9, v4;
	v9 =	vmul.f32 v14, v5;
	v13 =	vld [tilespmem:s24+$0x30];
	s24 =	smov.u32 s5;
	s5 =	smov.u32 s29;
	s29 =	smov.u32 s0  }
0x7b: {  	s0 =	smov.u32 s10;
	[tilespmem:s14+$0xFFFFFFD0] =	vst v10;
	v10 =	vld [tilespmem:s25+$0x30];
	s25 =	smov.u32 s6;
	s6 =	smov.u32 s8  }
0x7c: {  	v14 =	vmov s13;
	s8 =	smov.u32 s9;
	s9 =	smov.u32 s12;
	v16 =	vld [tilespmem:s29+$0xFFFFFFE0];
	v8 =	vadd.f32 v9, v8  }
0x7d: {  	s10 =	sadd.s32 $0x80, s10;
	v17 =	vmul.f32 v17, v2;
	v9 =	vld [tilespmem:s8+$0xFFFFFFE0];
	v11 =	vmul.f32 v11, v3  }
0x7e: {  	v20 =	vld [tilespmem:s10+$0xFFFFFFC0];
	[tilespmem:s7+$0xFFFFFFF0] =	vst v8  }
0x7f: {  	v8 =	vmul.f32 v12, v18;
	v12 =	vmul.f32 v15, v19;
	v15 =	vld [tilespmem:s5+$0x0];
	v11 =	vadd.f32 v11, v17  }
0x80: {  	v13 =	vmul.f32 v13, v0;
	v0 =	vmovc v2;
	v2 =	vmovc v4;
	v4 =	vmov v6;
	v21 =	vld [tilespmem:s6+$0x0];
	v17 =	vmul.f32 v10, v1  }
0x81: {  	v6 =	vmovc v18;
	v22 =	vadd.f32 v12, v8;
	v1 =	vmov v3;
	v3 =	vmov v5;
	v10 =	vld.idx.msk [tilespmem:v14+s23+$0x0], $0xffff;
	[tilespmem:s20+$0x10] =	vst v11  }
.Ltmp0:
0x82: {  	s14 =	sadd.s32 $0x80, s14;
	v5 =	vmovc v7;
	v14 =	vmul.f32 v16, v4;
	v9 =	vmul.f32 v9, v7;
	v8 =	vld [tilespmem:s24+$0x20];
	v13 =	vadd.f32 v17, v13;
	(pc) =	sbr.rel @p0 .LBB2_2-.Ltmp0, $4  }
0x83: {  	v7 =	vmov v19;
	[tilespmem:s14+$0xFFFFFFC0] =	vst v22;
	v11 =	vld [tilespmem:s25+$0x20];
	v12 =	vmov v20  }
0x84: {  	v16 =	vld [tilespmem:s0+$0xFFFFFFD0];
	v9 =	vadd.f32 v9, v14;
	[tilespmem:s19+$0x30] =	vst v13;
	s19 =	smov.u32 s20;
	s20 =	smov.u32 s7;
	s7 =	smov.u32 s11  }
0x85: {  	s12 =	sadd.s32 $0x80, s12;
	v13 =	vmul.f32 v15, v2;
	s11 =	smov.u32 s14;
	v17 =	vld [tilespmem:s9+$0xFFFFFFD0];
	v14 =	vmul.f32 v21, v3  }
0x86: {  	s13 =	sadd.s32 $0x1, s13;
	v15 =	vld [tilespmem:s12+$0xFFFFFFC0];
	[tilespmem:s7+$0xFFFFFFE0] =	vst v9  }
0x87: {  	_ =	sdelay $0x3  }
0x88: {  	v9 =	vld.idx.msk [tilespmem:v10+s4+$0x0], $0xffff  }
0x89: {  	v10 =	vld.idx.msk [tilespmem:v10+s22+$0x0], $0xffff;
	_ =	sdelay $0x4  }
0x8a: {  	v12 =	vmul.f32 v12, v9;
	v15 =	vmul.f32 v15, v10;
	_ =	sdelay $0x1  }
0x8b: {  	v12 =	vadd.f32 v15, v12  }
0x8c: {  	s13 =	sadd.s32 $0x80, s14  }
0x8d: {  	[tilespmem:s13+$0xFFFFFFC0] =	vst v12  }
0x8e: {  	v12 =	vld [tilespmem:s10+$0xFFFFFFD0]  }
0x8f: {  	v15 =	vld [tilespmem:s12+$0xFFFFFFD0];
	_ =	sdelay $0x2  }
0x90: {  	v16 =	vmul.f32 v16, v6;
	v17 =	vmul.f32 v17, v7;
	_ =	sdelay $0x1  }
0x91: {  	v16 =	vadd.f32 v17, v16;
	v12 =	vmul.f32 v12, v9;
	v15 =	vmul.f32 v15, v10;
	_ =	sdelay $0x1  }
0x92: {  	[tilespmem:s14+$0xFFFFFFD0] =	vst v16;
	v12 =	vadd.f32 v15, v12  }
0x93: {  	v16 =	vld [tilespmem:s9+$0xFFFFFFE0]  }
0x94: {  	v15 =	vld [tilespmem:s0+$0xFFFFFFE0];
	[tilespmem:s13+$0xFFFFFFD0] =	vst v12  }
0x95: {  	v12 =	vld [tilespmem:s10+$0xFFFFFFE0]  }
0x96: {  	v17 =	vld [tilespmem:s12+$0xFFFFFFE0];
	_ =	sdelay $0x2  }
0x97: {  	v16 =	vmul.f32 v16, v7;
	v15 =	vmul.f32 v15, v6;
	_ =	sdelay $0x1  }
0x98: {  	v15 =	vadd.f32 v16, v15;
	v12 =	vmul.f32 v12, v9;
	v16 =	vmul.f32 v17, v10  }
0x99: {  	v18 =	vld [tilespmem:s8+$0xFFFFFFF0]  }
0x9a: {  	v17 =	vld [tilespmem:s29+$0xFFFFFFF0];
	[tilespmem:s11+$0xFFFFFFE0] =	vst v15;
	v12 =	vadd.f32 v16, v12  }
0x9b: {  	v15 =	vld [tilespmem:s0+$0xFFFFFFF0]  }
0x9c: {  	v16 =	vld [tilespmem:s9+$0xFFFFFFF0];
	[tilespmem:s13+$0xFFFFFFE0] =	vst v12  }
0x9d: {  	v12 =	vld [tilespmem:s10+$0xFFFFFFF0]  }
0x9e: {  	v19 =	vld [tilespmem:s12+$0xFFFFFFF0]  }
0x9f: {  	v18 =	vmul.f32 v18, v5;
	v17 =	vmul.f32 v17, v4;
	_ =	sdelay $0x1  }
0xa0: {  	v17 =	vadd.f32 v18, v17;
	v15 =	vmul.f32 v15, v6;
	v16 =	vmul.f32 v16, v7;
	_ =	sdelay $0x1  }
0xa1: {  	[tilespmem:s7+$0xFFFFFFF0] =	vst v17;
	v15 =	vadd.f32 v16, v15;
	v12 =	vmul.f32 v12, v9;
	v16 =	vmul.f32 v19, v10  }
0xa2: {  	v17 =	vld [tilespmem:s29+$0x0]  }
0xa3: {  	v18 =	vld [tilespmem:s8+$0x0];
	[tilespmem:s11+$0xFFFFFFF0] =	vst v15;
	v12 =	vadd.f32 v16, v12  }
0xa4: {  	v15 =	vld [tilespmem:s0+$0x0]  }
0xa5: {  	v16 =	vld [tilespmem:s9+$0x0];
	[tilespmem:s13+$0xFFFFFFF0] =	vst v12  }
0xa6: {  	v12 =	vld [tilespmem:s10+$0x0]  }
0xa7: {  	v19 =	vld [tilespmem:s12+$0x0]  }
0xa8: {  	v13 =	vadd.f32 v14, v13;
	v14 =	vmul.f32 v17, v4;
	v17 =	vmul.f32 v18, v5;
	_ =	sdelay $0x1  }
0xa9: {  	[tilespmem:s20+$0x0] =	vst v13;
	v13 =	vadd.f32 v17, v14;
	v14 =	vmul.f32 v15, v6;
	v15 =	vmul.f32 v16, v7  }
0xaa: {  	v16 =	vld [tilespmem:s5+$0x10]  }
0xab: {  	v17 =	vld [tilespmem:s6+$0x10];
	[tilespmem:s7+$0x0] =	vst v13;
	v13 =	vadd.f32 v15, v14;
	v12 =	vmul.f32 v12, v9;
	v14 =	vmul.f32 v19, v10  }
0xac: {  	v15 =	vld [tilespmem:s29+$0x10]  }
0xad: {  	v18 =	vld [tilespmem:s8+$0x10];
	[tilespmem:s11+$0x0] =	vst v13;
	v12 =	vadd.f32 v14, v12  }
0xae: {  	v13 =	vld [tilespmem:s0+$0x10]  }
0xaf: {  	v14 =	vld [tilespmem:s9+$0x10];
	[tilespmem:s13+$0x0] =	vst v12  }
0xb0: {  	v12 =	vmul.f32 v16, v2;
	v16 =	vmul.f32 v17, v3;
	v17 =	vld [tilespmem:s10+$0x10]  }
0xb1: {  	v19 =	vld [tilespmem:s12+$0x10]  }
0xb2: {  	v15 =	vmul.f32 v15, v4;
	v12 =	vadd.f32 v16, v12;
	v16 =	vmul.f32 v18, v5;
	_ =	sdelay $0x1  }
0xb3: {  	v13 =	vmul.f32 v13, v6;
	v14 =	vmul.f32 v14, v7;
	[tilespmem:s20+$0x10] =	vst v12;
	v12 =	vadd.f32 v16, v15  }
0xb4: {  	v15 =	vld [tilespmem:s5+$0x20]  }
0xb5: {  	v16 =	vld [tilespmem:s6+$0x20];
	[tilespmem:s7+$0x10] =	vst v12;
	v12 =	vadd.f32 v14, v13;
	v13 =	vmul.f32 v17, v9;
	v14 =	vmul.f32 v19, v10  }
0xb6: {  	v17 =	vld [tilespmem:s29+$0x20]  }
0xb7: {  	v18 =	vld [tilespmem:s8+$0x20];
	[tilespmem:s11+$0x10] =	vst v12;
	v12 =	vadd.f32 v14, v13  }
0xb8: {  	v8 =	vmul.f32 v8, v0;
	v11 =	vmul.f32 v11, v1;
	v13 =	vld [tilespmem:s0+$0x20]  }
0xb9: {  	v14 =	vld [tilespmem:s9+$0x20];
	[tilespmem:s13+$0x10] =	vst v12  }
0xba: {  	v8 =	vadd.f32 v11, v8;
	v11 =	vmul.f32 v15, v2;
	v12 =	vmul.f32 v16, v3;
	v15 =	vld [tilespmem:s10+$0x20]  }
0xbb: {  	v16 =	vld [tilespmem:s12+$0x20]  }
0xbc: {  	[tilespmem:s19+$0x20] =	vst v8;
	v8 =	vadd.f32 v12, v11;
	v11 =	vmul.f32 v17, v4;
	v12 =	vmul.f32 v18, v5  }
0xbd: {  	v17 =	vld [tilespmem:s24+$0x30]  }
0xbe: {  	v18 =	vld [tilespmem:s25+$0x30];
	[tilespmem:s20+$0x20] =	vst v8;
	v8 =	vadd.f32 v12, v11;
	v11 =	vmul.f32 v13, v6;
	v12 =	vmul.f32 v14, v7  }
0xbf: {  	v13 =	vld [tilespmem:s5+$0x30]  }
0xc0: {  	v14 =	vld [tilespmem:s6+$0x30];
	[tilespmem:s7+$0x20] =	vst v8;
	v8 =	vadd.f32 v12, v11;
	v11 =	vmul.f32 v15, v9;
	v12 =	vmul.f32 v16, v10  }
0xc1: {  	v15 =	vld [tilespmem:s29+$0x30]  }
0xc2: {  	v16 =	vld [tilespmem:s8+$0x30];
	[tilespmem:s11+$0x20] =	vst v8;
	v8 =	vadd.f32 v12, v11  }
0xc3: {  	v11 =	vld [tilespmem:s0+$0x30]  }
0xc4: {  	v12 =	vld [tilespmem:s9+$0x30];
	[tilespmem:s13+$0x20] =	vst v8  }
0xc5: {  	v8 =	vld [tilespmem:s10+$0x30]  }
0xc6: {  	v19 =	vld [tilespmem:s12+$0x30]  }
0xc7: {  	v0 =	vmul.f32 v17, v0;
	v1 =	vmul.f32 v18, v1  }
0xc8: {  	v2 =	vmul.f32 v13, v2;
	v3 =	vmul.f32 v14, v3  }
0xc9: {  	v0 =	vadd.f32 v1, v0;
	v1 =	vmul.f32 v15, v4;
	v4 =	vmul.f32 v16, v5  }
0xca: {  	v2 =	vadd.f32 v3, v2;
	v3 =	vmul.f32 v11, v6;
	v5 =	vmul.f32 v12, v7  }
0xcb: {  	[tilespmem:s19+$0x30] =	vst v0;
	v0 =	vadd.f32 v4, v1;
	v1 =	vmul.f32 v8, v9;
	v4 =	vmul.f32 v19, v10  }
0xcc: {  	[tilespmem:s20+$0x30] =	vst v2;
	v2 =	vadd.f32 v5, v3  }
0xcd: {  	[tilespmem:s7+$0x30] =	vst v0;
	v0 =	vadd.f32 v4, v1  }
0xce: {  	[tilespmem:s11+$0x30] =	vst v2  }
0xcf: {  	[tilespmem:s13+$0x30] =	vst v0  }
0xd0: {  	s25 =	simm.s32 $0x10A00;
	s24 =	rddreg [dreg:$0xc]  }
0xd1: {  	[hbm4b:s24+s4] =	stream.linear.scatter [tilespmem:s25], [sflag:$0x5], $0x4000, $0x38;
	[tilespmem:$0x18A00] =	vst v63  }
0xd2: {  	s7 =	simm.s32 $0xA00;
	s6 =	rddreg [dreg:$0xd]  }
0xd3: {  	[tilespmem:s7], [sflag:$0x1] =	stream.linear.gather [hbm4b:s6+s4], $0x4000, $0x38;
	[tilespmem:$0x18A00] =	vst v63  }
0xd4: {  	s9 =	simm.s32 $0x8A00;
	s8 =	rddreg [dreg:$0xe]  }
0xd5: {  	[tilespmem:s9], [sflag:$0x3] =	stream.linear.gather [hbm4b:s8+s4], $0x4000, $0x38;
	[tilespmem:$0x18A00] =	vst v63  }
0xd6: {  	s10 =	simm.s32 $0x80;
	_ =	swait.ge [sflag:s30], $0x4000  }
0xd7: {  	v0 =	vmov s10;
	[sflag:s30] =	ssyncset.done $0x0  }
0xd8: {  	[sflag:s30] =	ssyncadd.s32 $0xFFFFC000  }
0xd9: {  	_ =	swait.ge [sflag:s31], $0x4000  }
0xda: {  	[sflag:s31] =	ssyncset.done $0x0  }
0xdb: {  	[sflag:s31] =	ssyncadd.s32 $0xFFFFC000  }
0xdc: {  	v1 =	vld.idx.msk [tilespmem:v0+s23+$0x0], $0xffff;
	_ =	sdelay $0x4  }
0xdd: {  	s24 =	simm.s32 $0x4A40  }
0xde: {  	s25 =	simm.s32 $0xCA40;
	v2 =	vld [tilespmem:s24+$0xFFFFFFC0]  }
0xdf: {  	v3 =	vld [tilespmem:s25+$0xFFFFFFC0]  }
0xe0: {  	v0 =	vld.idx.msk [tilespmem:v1+s4+$0x0], $0xffff  }
0xe1: {  	v1 =	vld.idx.msk [tilespmem:v1+s22+$0x0], $0xffff;
	_ =	sdelay $0x2  }
0xe2: {  	s11 =	simm.s32 $0x81  }
0xe3: {  	v4 =	vmov s11  }
0xe4: {  	v2 =	vmul.f32 v2, v0;
	v3 =	vmul.f32 v3, v1;
	_ =	sdelay $0x1  }
0xe5: {  	v2 =	vadd.f32 v3, v2  }
0xe6: {  	s19 =	simm.s32 $0x14A40  }
0xe7: {  	v3 =	vld.idx.msk [tilespmem:v4+s23+$0x0], $0xffff;
	[tilespmem:s19+$0xFFFFFFC0] =	vst v2  }
0xe8: {  	v2 =	vld [tilespmem:s24+$0xFFFFFFD0]  }
0xe9: {  	v4 =	vld [tilespmem:s25+$0xFFFFFFD0];
	_ =	sdelay $0x3  }
0xea: {  	s5 =	simm.s32 $0x4AC0  }
0xeb: {  	s6 =	simm.s32 $0xCAC0;
	v5 =	vld [tilespmem:s5+$0xFFFFFFC0];
	v6 =	vmul.f32 v2, v0;
	v4 =	vmul.f32 v4, v1  }
0xec: {  	v7 =	vld [tilespmem:s6+$0xFFFFFFC0]  }
0xed: {  	v2 =	vld.idx.msk [tilespmem:v3+s4+$0x0], $0xffff;
	v4 =	vadd.f32 v4, v6  }
0xee: {  	v3 =	vld.idx.msk [tilespmem:v3+s22+$0x0], $0xffff  }
0xef: {  	[tilespmem:s19+$0xFFFFFFD0] =	vst v4  }
0xf0: {  	v4 =	vld [tilespmem:s24+$0xFFFFFFE0]  }
0xf1: {  	s12 =	simm.s32 $0x82;
	v6 =	vld [tilespmem:s25+$0xFFFFFFE0]  }
0xf2: {  	v8 =	vmov s12  }
0xf3: {  	v5 =	vmul.f32 v5, v2;
	v7 =	vmul.f32 v7, v3;
	_ =	sdelay $0x1  }
0xf4: {  	v5 =	vadd.f32 v7, v5  }
0xf5: {  	s20 =	simm.s32 $0x14AC0;
	v4 =	vmul.f32 v4, v0;
	v6 =	vmul.f32 v6, v1  }
0xf6: {  	v7 =	vld.idx.msk [tilespmem:v8+s23+$0x0], $0xffff;
	[tilespmem:s20+$0xFFFFFFC0] =	vst v5  }
0xf7: {  	v5 =	vld [tilespmem:s5+$0xFFFFFFD0];
	v4 =	vadd.f32 v6, v4  }
0xf8: {  	v6 =	vld [tilespmem:s6+$0xFFFFFFD0]  }
0xf9: {  	[tilespmem:s19+$0xFFFFFFE0] =	vst v4  }
0xfa: {  	v8 =	vld [tilespmem:s24+$0xFFFFFFF0]  }
0xfb: {  	v9 =	vld [tilespmem:s25+$0xFFFFFFF0]  }
0xfc: {  	s7 =	simm.s32 $0x4B40  }
0xfd: {  	s8 =	simm.s32 $0xCB40;
	v10 =	vld [tilespmem:s7+$0xFFFFFFC0];
	v5 =	vmul.f32 v5, v2;
	v6 =	vmul.f32 v6, v3  }
0xfe: {  	v11 =	vld [tilespmem:s8+$0xFFFFFFC0]  }
0xff: {  	v4 =	vld.idx.msk [tilespmem:v7+s4+$0x0], $0xffff;
	v6 =	vadd.f32 v6, v5  }
0x100: {  	v5 =	vld.idx.msk [tilespmem:v7+s22+$0x0], $0xffff;
	v7 =	vmul.f32 v8, v0;
	v8 =	vmul.f32 v9, v1  }
0x101: {  	[tilespmem:s20+$0xFFFFFFD0] =	vst v6  }
0x102: {  	v6 =	vld [tilespmem:s5+$0xFFFFFFE0];
	v7 =	vadd.f32 v8, v7  }
0x103: {  	s13 =	simm.s32 $0x83;
	v8 =	vld [tilespmem:s6+$0xFFFFFFE0]  }
0x104: {  	v9 =	vmov s13;
	[tilespmem:s19+$0xFFFFFFF0] =	vst v7  }
0x105: {  	v7 =	vmul.f32 v10, v4;
	v10 =	vmul.f32 v11, v5;
	v11 =	vld [tilespmem:s24+$0x0]  }
0x106: {  	v12 =	vld [tilespmem:s25+$0x0]  }
0x107: {  	v7 =	vadd.f32 v10, v7  }
0x108: {  	s29 =	simm.s32 $0x14B40;
	v6 =	vmul.f32 v6, v2;
	v8 =	vmul.f32 v8, v3  }
0x109: {  	v9 =	vld.idx.msk [tilespmem:v9+s23+$0x0], $0xffff;
	[tilespmem:s29+$0xFFFFFFC0] =	vst v7  }
0x10a: {  	v7 =	vld [tilespmem:s7+$0xFFFFFFD0];
	v6 =	vadd.f32 v8, v6  }
0x10b: {  	s0 =	simm.s32 $0x4BC0;
	v8 =	vld [tilespmem:s8+$0xFFFFFFD0];
	v10 =	vmul.f32 v11, v0;
	v11 =	vmul.f32 v12, v1  }
0x10c: {  	v13 =	vld [tilespmem:s0+$0xFFFFFFC0];
	[tilespmem:s20+$0xFFFFFFE0] =	vst v6  }
0x10d: {  	v12 =	vld [tilespmem:s5+$0xFFFFFFF0];
	v6 =	vadd.f32 v11, v10  }
0x10e: {  	s9 =	simm.s32 $0xCBC0;
	v10 =	vld [tilespmem:s6+$0xFFFFFFF0]  }
0x10f: {  	v11 =	vld [tilespmem:s9+$0xFFFFFFC0];
	[tilespmem:s19+$0x0] =	vst v6  }
0x110: {  	v7 =	vmul.f32 v7, v4;
	v8 =	vmul.f32 v8, v5;
	v14 =	vld [tilespmem:s24+$0x10]  }
0x111: {  	v15 =	vld [tilespmem:s25+$0x10]  }
0x112: {  	v6 =	vld.idx.msk [tilespmem:v9+s4+$0x0], $0xffff;
	v8 =	vadd.f32 v8, v7  }
0x113: {  	v7 =	vld.idx.msk [tilespmem:v9+s22+$0x0], $0xffff;
	v9 =	vmul.f32 v12, v2;
	v10 =	vmul.f32 v10, v3  }
0x114: {  	s14 =	simm.s32 $0x84;
	[tilespmem:s29+$0xFFFFFFD0] =	vst v8  }
0x115: {  	v8 =	vmov s14;
	v16 =	vld [tilespmem:s7+$0xFFFFFFE0];
	v9 =	vadd.f32 v10, v9  }
0x116: {  	s10 =	simm.s32 $0x4C40;
	v17 =	vld [tilespmem:s8+$0xFFFFFFE0];
	v10 =	vmul.f32 v14, v0;
	v14 =	vmul.f32 v15, v1  }
0x117: {  	v12 =	vld [tilespmem:s10+$0xFFFFFFC0];
	[tilespmem:s20+$0xFFFFFFF0] =	vst v9  }
0x118: {  	v9 =	vmul.f32 v13, v6;
	v11 =	vmul.f32 v11, v7;
	v13 =	vld [tilespmem:s5+$0x0];
	v14 =	vadd.f32 v14, v10  }
0x119: {  	v15 =	vld [tilespmem:s6+$0x0]  }
0x11a: {  	v10 =	vld.idx.msk [tilespmem:v8+s23+$0x0], $0xffff;
	v9 =	vadd.f32 v11, v9;
	[tilespmem:s19+$0x10] =	vst v14  }
0x11b: {  	s14 =	simm.s32 $0x14BC0;
	v14 =	vmul.f32 v16, v4;
	v17 =	vmul.f32 v17, v5;
	v8 =	vld [tilespmem:s24+$0x20]  }
0x11c: {  	[tilespmem:s14+$0xFFFFFFC0] =	vst v9;
	v11 =	vld [tilespmem:s25+$0x20]  }
0x11d: {  	v16 =	vld [tilespmem:s0+$0xFFFFFFD0];
	v9 =	vadd.f32 v17, v14  }
0x11e: {  	s12 =	simm.s32 $0xCC40;
	v17 =	vld [tilespmem:s9+$0xFFFFFFD0];
	v13 =	vmul.f32 v13, v2;
	v14 =	vmul.f32 v15, v3  }
0x11f: {  	s11 =	simm.s32 $0x14BC0;
	s13 =	simm.s32 $0x85;
	v15 =	vld [tilespmem:s12+$0xFFFFFFC0];
	[tilespmem:s29+$0xFFFFFFE0] =	vst v9  }
.LBB2_4:
0x120: {  	p0 =	sne.s32 s13, $0xFF;
	v9 =	vld [tilespmem:s7+$0xFFFFFFF0];
	v13 =	vadd.f32 v14, v13  }
0x121: {  	v8 =	vmul.f32 v8, v0;
	v14 =	vld [tilespmem:s8+$0xFFFFFFF0];
	v11 =	vmul.f32 v11, v1  }
0x122: {  	v18 =	vld.idx.msk [tilespmem:v10+s4+$0x0], $0xffff;
	[tilespmem:s20+$0x0] =	vst v13  }
0x123: {  	v13 =	vmul.f32 v16, v6;
	v16 =	vmul.f32 v17, v7;
	v17 =	vld [tilespmem:s5+$0x10];
	v8 =	vadd.f32 v11, v8  }
0x124: {  	v11 =	vld [tilespmem:s6+$0x10]  }
0x125: {  	v19 =	vld.idx.msk [tilespmem:v10+s22+$0x0], $0xffff;
	v10 =	vadd.f32 v16, v13;
	[tilespmem:s19+$0x20] =	vst v8  }
0x126: {  	v8 =	vmul.f32 v9, v4;
	v9 =	vmul.f32 v14, v5;
	v13 =	vld [tilespmem:s24+$0x30];
	s24 =	smov.u32 s5;
	s5 =	smov.u32 s7;
	s7 =	smov.u32 s0  }
0x127: {  	s0 =	smov.u32 s10;
	[tilespmem:s14+$0xFFFFFFD0] =	vst v10;
	v10 =	vld [tilespmem:s25+$0x30];
	s25 =	smov.u32 s6;
	s6 =	smov.u32 s8  }
0x128: {  	v14 =	vmov s13;
	s8 =	smov.u32 s9;
	s9 =	smov.u32 s12;
	v16 =	vld [tilespmem:s7+$0xFFFFFFE0];
	v8 =	vadd.f32 v9, v8  }
0x129: {  	s10 =	sadd.s32 $0x80, s10;
	v17 =	vmul.f32 v17, v2;
	v9 =	vld [tilespmem:s8+$0xFFFFFFE0];
	v11 =	vmul.f32 v11, v3  }
0x12a: {  	v20 =	vld [tilespmem:s10+$0xFFFFFFC0];
	[tilespmem:s29+$0xFFFFFFF0] =	vst v8  }
0x12b: {  	v8 =	vmul.f32 v12, v18;
	v12 =	vmul.f32 v15, v19;
	v15 =	vld [tilespmem:s5+$0x0];
	v11 =	vadd.f32 v11, v17  }
0x12c: {  	v13 =	vmul.f32 v13, v0;
	v0 =	vmovc v2;
	v2 =	vmovc v4;
	v4 =	vmov v6;
	v21 =	vld [tilespmem:s6+$0x0];
	v17 =	vmul.f32 v10, v1  }
0x12d: {  	v6 =	vmovc v18;
	v22 =	vadd.f32 v12, v8;
	v1 =	vmov v3;
	v3 =	vmov v5;
	v10 =	vld.idx.msk [tilespmem:v14+s23+$0x0], $0xffff;
	[tilespmem:s20+$0x10] =	vst v11  }
.Ltmp1:
0x12e: {  	s14 =	sadd.s32 $0x80, s14;
	v5 =	vmovc v7;
	v14 =	vmul.f32 v16, v4;
	v9 =	vmul.f32 v9, v7;
	v8 =	vld [tilespmem:s24+$0x20];
	v13 =	vadd.f32 v17, v13;
	(pc) =	sbr.rel @p0 .LBB2_4-.Ltmp1, $4  }
0x12f: {  	v7 =	vmov v19;
	[tilespmem:s14+$0xFFFFFFC0] =	vst v22;
	v11 =	vld [tilespmem:s25+$0x20];
	v12 =	vmov v20  }
0x130: {  	v16 =	vld [tilespmem:s0+$0xFFFFFFD0];
	v9 =	vadd.f32 v9, v14;
	[tilespmem:s19+$0x30] =	vst v13;
	s19 =	smov.u32 s20;
	s20 =	smov.u32 s29;
	s29 =	smov.u32 s11  }
0x131: {  	s12 =	sadd.s32 $0x80, s12;
	v13 =	vmul.f32 v15, v2;
	s11 =	smov.u32 s14;
	v17 =	vld [tilespmem:s9+$0xFFFFFFD0];
	v14 =	vmul.f32 v21, v3  }
0x132: {  	s13 =	sadd.s32 $0x1, s13;
	v15 =	vld [tilespmem:s12+$0xFFFFFFC0];
	[tilespmem:s29+$0xFFFFFFE0] =	vst v9  }
0x133: {  	_ =	sdelay $0x3  }
0x134: {  	v9 =	vld.idx.msk [tilespmem:v10+s4+$0x0], $0xffff  }
0x135: {  	v10 =	vld.idx.msk [tilespmem:v10+s22+$0x0], $0xffff;
	_ =	sdelay $0x4  }
0x136: {  	v12 =	vmul.f32 v12, v9;
	v15 =	vmul.f32 v15, v10;
	_ =	sdelay $0x1  }
0x137: {  	v12 =	vadd.f32 v15, v12  }
0x138: {  	s13 =	sadd.s32 $0x80, s14  }
0x139: {  	[tilespmem:s13+$0xFFFFFFC0] =	vst v12  }
0x13a: {  	v12 =	vld [tilespmem:s10+$0xFFFFFFD0]  }
0x13b: {  	v15 =	vld [tilespmem:s12+$0xFFFFFFD0];
	_ =	sdelay $0x2  }
0x13c: {  	v16 =	vmul.f32 v16, v6;
	v17 =	vmul.f32 v17, v7;
	_ =	sdelay $0x1  }
0x13d: {  	v16 =	vadd.f32 v17, v16;
	v12 =	vmul.f32 v12, v9;
	v15 =	vmul.f32 v15, v10;
	_ =	sdelay $0x1  }
0x13e: {  	[tilespmem:s14+$0xFFFFFFD0] =	vst v16;
	v12 =	vadd.f32 v15, v12  }
0x13f: {  	v16 =	vld [tilespmem:s9+$0xFFFFFFE0]  }
0x140: {  	v15 =	vld [tilespmem:s0+$0xFFFFFFE0];
	[tilespmem:s13+$0xFFFFFFD0] =	vst v12  }
0x141: {  	v12 =	vld [tilespmem:s10+$0xFFFFFFE0]  }
0x142: {  	v17 =	vld [tilespmem:s12+$0xFFFFFFE0];
	_ =	sdelay $0x2  }
0x143: {  	v16 =	vmul.f32 v16, v7;
	v15 =	vmul.f32 v15, v6;
	_ =	sdelay $0x1  }
0x144: {  	v15 =	vadd.f32 v16, v15;
	v12 =	vmul.f32 v12, v9;
	v16 =	vmul.f32 v17, v10  }
0x145: {  	v18 =	vld [tilespmem:s8+$0xFFFFFFF0]  }
0x146: {  	v17 =	vld [tilespmem:s7+$0xFFFFFFF0];
	[tilespmem:s11+$0xFFFFFFE0] =	vst v15;
	v12 =	vadd.f32 v16, v12  }
0x147: {  	v15 =	vld [tilespmem:s0+$0xFFFFFFF0]  }
0x148: {  	v16 =	vld [tilespmem:s9+$0xFFFFFFF0];
	[tilespmem:s13+$0xFFFFFFE0] =	vst v12  }
0x149: {  	v12 =	vld [tilespmem:s10+$0xFFFFFFF0]  }
0x14a: {  	v19 =	vld [tilespmem:s12+$0xFFFFFFF0]  }
0x14b: {  	v18 =	vmul.f32 v18, v5;
	v17 =	vmul.f32 v17, v4;
	_ =	sdelay $0x1  }
0x14c: {  	v17 =	vadd.f32 v18, v17;
	v15 =	vmul.f32 v15, v6;
	v16 =	vmul.f32 v16, v7;
	_ =	sdelay $0x1  }
0x14d: {  	[tilespmem:s29+$0xFFFFFFF0] =	vst v17;
	v15 =	vadd.f32 v16, v15;
	v12 =	vmul.f32 v12, v9;
	v16 =	vmul.f32 v19, v10  }
0x14e: {  	v17 =	vld [tilespmem:s7+$0x0]  }
0x14f: {  	v18 =	vld [tilespmem:s8+$0x0];
	[tilespmem:s11+$0xFFFFFFF0] =	vst v15;
	v12 =	vadd.f32 v16, v12  }
0x150: {  	v15 =	vld [tilespmem:s0+$0x0]  }
0x151: {  	v16 =	vld [tilespmem:s9+$0x0];
	[tilespmem:s13+$0xFFFFFFF0] =	vst v12  }
0x152: {  	v12 =	vld [tilespmem:s10+$0x0]  }
0x153: {  	v19 =	vld [tilespmem:s12+$0x0]  }
0x154: {  	v13 =	vadd.f32 v14, v13;
	v14 =	vmul.f32 v17, v4;
	v17 =	vmul.f32 v18, v5;
	_ =	sdelay $0x1  }
0x155: {  	[tilespmem:s20+$0x0] =	vst v13;
	v13 =	vadd.f32 v17, v14;
	v14 =	vmul.f32 v15, v6;
	v15 =	vmul.f32 v16, v7  }
0x156: {  	v16 =	vld [tilespmem:s5+$0x10]  }
0x157: {  	v17 =	vld [tilespmem:s6+$0x10];
	[tilespmem:s29+$0x0] =	vst v13;
	v13 =	vadd.f32 v15, v14;
	v12 =	vmul.f32 v12, v9;
	v14 =	vmul.f32 v19, v10  }
0x158: {  	v15 =	vld [tilespmem:s7+$0x10]  }
0x159: {  	v18 =	vld [tilespmem:s8+$0x10];
	[tilespmem:s11+$0x0] =	vst v13;
	v12 =	vadd.f32 v14, v12  }
0x15a: {  	v13 =	vld [tilespmem:s0+$0x10]  }
0x15b: {  	v14 =	vld [tilespmem:s9+$0x10];
	[tilespmem:s13+$0x0] =	vst v12  }
0x15c: {  	v12 =	vmul.f32 v16, v2;
	v16 =	vmul.f32 v17, v3;
	v17 =	vld [tilespmem:s10+$0x10]  }
0x15d: {  	v19 =	vld [tilespmem:s12+$0x10]  }
0x15e: {  	v15 =	vmul.f32 v15, v4;
	v12 =	vadd.f32 v16, v12;
	v16 =	vmul.f32 v18, v5;
	_ =	sdelay $0x1  }
0x15f: {  	v13 =	vmul.f32 v13, v6;
	v14 =	vmul.f32 v14, v7;
	[tilespmem:s20+$0x10] =	vst v12;
	v12 =	vadd.f32 v16, v15  }
0x160: {  	v15 =	vld [tilespmem:s5+$0x20]  }
0x161: {  	v16 =	vld [tilespmem:s6+$0x20];
	[tilespmem:s29+$0x10] =	vst v12;
	v12 =	vadd.f32 v14, v13;
	v13 =	vmul.f32 v17, v9;
	v14 =	vmul.f32 v19, v10  }
0x162: {  	v17 =	vld [tilespmem:s7+$0x20]  }
0x163: {  	v18 =	vld [tilespmem:s8+$0x20];
	[tilespmem:s11+$0x10] =	vst v12;
	v12 =	vadd.f32 v14, v13  }
0x164: {  	v8 =	vmul.f32 v8, v0;
	v11 =	vmul.f32 v11, v1;
	v13 =	vld [tilespmem:s0+$0x20]  }
0x165: {  	v14 =	vld [tilespmem:s9+$0x20];
	[tilespmem:s13+$0x10] =	vst v12  }
0x166: {  	v8 =	vadd.f32 v11, v8;
	v11 =	vmul.f32 v15, v2;
	v12 =	vmul.f32 v16, v3;
	v15 =	vld [tilespmem:s10+$0x20]  }
0x167: {  	v16 =	vld [tilespmem:s12+$0x20]  }
0x168: {  	[tilespmem:s19+$0x20] =	vst v8;
	v8 =	vadd.f32 v12, v11;
	v11 =	vmul.f32 v17, v4;
	v12 =	vmul.f32 v18, v5  }
0x169: {  	v17 =	vld [tilespmem:s24+$0x30]  }
0x16a: {  	v18 =	vld [tilespmem:s25+$0x30];
	[tilespmem:s20+$0x20] =	vst v8;
	v8 =	vadd.f32 v12, v11;
	v11 =	vmul.f32 v13, v6;
	v12 =	vmul.f32 v14, v7  }
0x16b: {  	v13 =	vld [tilespmem:s5+$0x30]  }
0x16c: {  	v14 =	vld [tilespmem:s6+$0x30];
	[tilespmem:s29+$0x20] =	vst v8;
	v8 =	vadd.f32 v12, v11;
	v11 =	vmul.f32 v15, v9;
	v12 =	vmul.f32 v16, v10  }
0x16d: {  	v15 =	vld [tilespmem:s7+$0x30]  }
0x16e: {  	v16 =	vld [tilespmem:s8+$0x30];
	[tilespmem:s11+$0x20] =	vst v8;
	v8 =	vadd.f32 v12, v11  }
0x16f: {  	v11 =	vld [tilespmem:s0+$0x30]  }
0x170: {  	v12 =	vld [tilespmem:s9+$0x30];
	[tilespmem:s13+$0x20] =	vst v8  }
0x171: {  	v8 =	vld [tilespmem:s10+$0x30]  }
0x172: {  	v19 =	vld [tilespmem:s12+$0x30]  }
0x173: {  	v0 =	vmul.f32 v17, v0;
	v1 =	vmul.f32 v18, v1  }
0x174: {  	v2 =	vmul.f32 v13, v2;
	v3 =	vmul.f32 v14, v3  }
0x175: {  	v0 =	vadd.f32 v1, v0;
	v1 =	vmul.f32 v15, v4;
	v4 =	vmul.f32 v16, v5  }
0x176: {  	v2 =	vadd.f32 v3, v2;
	v3 =	vmul.f32 v11, v6;
	v5 =	vmul.f32 v12, v7  }
0x177: {  	[tilespmem:s19+$0x30] =	vst v0;
	v0 =	vadd.f32 v4, v1;
	v1 =	vmul.f32 v8, v9;
	v4 =	vmul.f32 v19, v10  }
0x178: {  	[tilespmem:s20+$0x30] =	vst v2;
	v2 =	vadd.f32 v5, v3  }
0x179: {  	[tilespmem:s29+$0x30] =	vst v0;
	v0 =	vadd.f32 v4, v1  }
0x17a: {  	[tilespmem:s11+$0x30] =	vst v2  }
0x17b: {  	[tilespmem:s13+$0x30] =	vst v0  }
0x17c: {  	s6 =	simm.s32 $0x14A00;
	s5 =	rddreg [dreg:$0xf]  }
0x17d: {  	[hbm4b:s5+s4] =	stream.linear.scatter [tilespmem:s6], [sflag:$0x6], $0x4000, $0x38;
	[tilespmem:$0x18A00] =	vst v63  }
0x17e: {  	s8 =	simm.s32 $0x4A00;
	s7 =	rddreg [dreg:$0x10]  }
0x17f: {  	[tilespmem:s8], [sflag:$0x2] =	stream.linear.gather [hbm4b:s7+s4], $0x4000, $0x38;
	[tilespmem:$0x18A00] =	vst v63  }
0x180: {  	s9 =	simm.s32 $0xCA00  }
0x181: {  	[tilespmem:s9], [sflag:$0x4] =	stream.linear.gather [hbm4b:s15+s4], $0x4000, $0x38;
	[tilespmem:$0x18A00] =	vst v63  }
0x182: {  	_ =	swait.ge [sflag:s26], $0x4000  }
0x183: {  	[sflag:s26] =	ssyncset.done $0x0  }
0x184: {  	[sflag:s26] =	ssyncadd.s32 $0xFFFFC000  }
0x185: {  	s10 =	simm.s32 $0x100;
	_ =	swait.ge [sflag:s28], $0x4000  }
0x186: {  	v0 =	vmov s10;
	[sflag:s28] =	ssyncset.done $0x0  }
0x187: {  	[sflag:s28] =	ssyncadd.s32 $0xFFFFC000  }
0x188: {  	_ =	swait.ge [sflag:s1], $0x4000  }
0x189: {  	[sflag:s1] =	ssyncset.done $0x0  }
0x18a: {  	[sflag:s1] =	ssyncadd.s32 $0xFFFFC000  }
0x18b: {  	v1 =	vld.idx.msk [tilespmem:v0+s23+$0x0], $0xffff;
	_ =	sdelay $0x4  }
0x18c: {  	s24 =	simm.s32 $0xA40  }
0x18d: {  	s25 =	simm.s32 $0x8A40;
	v2 =	vld [tilespmem:s24+$0xFFFFFFC0]  }
0x18e: {  	v3 =	vld [tilespmem:s25+$0xFFFFFFC0]  }
0x18f: {  	v0 =	vld.idx.msk [tilespmem:v1+s4+$0x0], $0xffff  }
0x190: {  	v1 =	vld.idx.msk [tilespmem:v1+s22+$0x0], $0xffff;
	_ =	sdelay $0x2  }
0x191: {  	s11 =	simm.s32 $0x101  }
0x192: {  	v4 =	vmov s11  }
0x193: {  	v2 =	vmul.f32 v2, v0;
	v3 =	vmul.f32 v3, v1;
	_ =	sdelay $0x1  }
0x194: {  	v2 =	vadd.f32 v3, v2  }
0x195: {  	s19 =	simm.s32 $0x10A40  }
0x196: {  	v3 =	vld.idx.msk [tilespmem:v4+s23+$0x0], $0xffff;
	[tilespmem:s19+$0xFFFFFFC0] =	vst v2  }
0x197: {  	v2 =	vld [tilespmem:s24+$0xFFFFFFD0]  }
0x198: {  	v4 =	vld [tilespmem:s25+$0xFFFFFFD0];
	_ =	sdelay $0x3  }
0x199: {  	s5 =	simm.s32 $0xAC0  }
0x19a: {  	s6 =	simm.s32 $0x8AC0;
	v5 =	vld [tilespmem:s5+$0xFFFFFFC0];
	v6 =	vmul.f32 v2, v0;
	v4 =	vmul.f32 v4, v1  }
0x19b: {  	v7 =	vld [tilespmem:s6+$0xFFFFFFC0]  }
0x19c: {  	v2 =	vld.idx.msk [tilespmem:v3+s4+$0x0], $0xffff;
	v4 =	vadd.f32 v4, v6  }
0x19d: {  	v3 =	vld.idx.msk [tilespmem:v3+s22+$0x0], $0xffff  }
0x19e: {  	[tilespmem:s19+$0xFFFFFFD0] =	vst v4  }
0x19f: {  	v4 =	vld [tilespmem:s24+$0xFFFFFFE0]  }
0x1a0: {  	s12 =	simm.s32 $0x102;
	v6 =	vld [tilespmem:s25+$0xFFFFFFE0]  }
0x1a1: {  	v8 =	vmov s12  }
0x1a2: {  	v5 =	vmul.f32 v5, v2;
	v7 =	vmul.f32 v7, v3;
	_ =	sdelay $0x1  }
0x1a3: {  	v5 =	vadd.f32 v7, v5  }
0x1a4: {  	s20 =	simm.s32 $0x10AC0;
	v4 =	vmul.f32 v4, v0;
	v6 =	vmul.f32 v6, v1  }
0x1a5: {  	v7 =	vld.idx.msk [tilespmem:v8+s23+$0x0], $0xffff;
	[tilespmem:s20+$0xFFFFFFC0] =	vst v5  }
0x1a6: {  	v5 =	vld [tilespmem:s5+$0xFFFFFFD0];
	v4 =	vadd.f32 v6, v4  }
0x1a7: {  	v6 =	vld [tilespmem:s6+$0xFFFFFFD0]  }
0x1a8: {  	[tilespmem:s19+$0xFFFFFFE0] =	vst v4  }
0x1a9: {  	v8 =	vld [tilespmem:s24+$0xFFFFFFF0]  }
0x1aa: {  	v9 =	vld [tilespmem:s25+$0xFFFFFFF0]  }
0x1ab: {  	s7 =	simm.s32 $0xB40  }
0x1ac: {  	s8 =	simm.s32 $0x8B40;
	v10 =	vld [tilespmem:s7+$0xFFFFFFC0];
	v5 =	vmul.f32 v5, v2;
	v6 =	vmul.f32 v6, v3  }
0x1ad: {  	v11 =	vld [tilespmem:s8+$0xFFFFFFC0]  }
0x1ae: {  	v4 =	vld.idx.msk [tilespmem:v7+s4+$0x0], $0xffff;
	v6 =	vadd.f32 v6, v5  }
0x1af: {  	v5 =	vld.idx.msk [tilespmem:v7+s22+$0x0], $0xffff;
	v7 =	vmul.f32 v8, v0;
	v8 =	vmul.f32 v9, v1  }
0x1b0: {  	[tilespmem:s20+$0xFFFFFFD0] =	vst v6  }
0x1b1: {  	v6 =	vld [tilespmem:s5+$0xFFFFFFE0];
	v7 =	vadd.f32 v8, v7  }
0x1b2: {  	s13 =	simm.s32 $0x103;
	v8 =	vld [tilespmem:s6+$0xFFFFFFE0]  }
0x1b3: {  	v9 =	vmov s13;
	[tilespmem:s19+$0xFFFFFFF0] =	vst v7  }
0x1b4: {  	v7 =	vmul.f32 v10, v4;
	v10 =	vmul.f32 v11, v5;
	v11 =	vld [tilespmem:s24+$0x0]  }
0x1b5: {  	v12 =	vld [tilespmem:s25+$0x0]  }
0x1b6: {  	v7 =	vadd.f32 v10, v7  }
0x1b7: {  	s29 =	simm.s32 $0x10B40;
	v6 =	vmul.f32 v6, v2;
	v8 =	vmul.f32 v8, v3  }
0x1b8: {  	v9 =	vld.idx.msk [tilespmem:v9+s23+$0x0], $0xffff;
	[tilespmem:s29+$0xFFFFFFC0] =	vst v7  }
0x1b9: {  	v7 =	vld [tilespmem:s7+$0xFFFFFFD0];
	v6 =	vadd.f32 v8, v6  }
0x1ba: {  	s0 =	simm.s32 $0xBC0;
	v8 =	vld [tilespmem:s8+$0xFFFFFFD0];
	v10 =	vmul.f32 v11, v0;
	v11 =	vmul.f32 v12, v1  }
0x1bb: {  	v13 =	vld [tilespmem:s0+$0xFFFFFFC0];
	[tilespmem:s20+$0xFFFFFFE0] =	vst v6  }
0x1bc: {  	v12 =	vld [tilespmem:s5+$0xFFFFFFF0];
	v6 =	vadd.f32 v11, v10  }
0x1bd: {  	s9 =	simm.s32 $0x8BC0;
	v10 =	vld [tilespmem:s6+$0xFFFFFFF0]  }
0x1be: {  	v11 =	vld [tilespmem:s9+$0xFFFFFFC0];
	[tilespmem:s19+$0x0] =	vst v6  }
0x1bf: {  	v7 =	vmul.f32 v7, v4;
	v8 =	vmul.f32 v8, v5;
	v14 =	vld [tilespmem:s24+$0x10]  }
0x1c0: {  	v15 =	vld [tilespmem:s25+$0x10]  }
0x1c1: {  	v6 =	vld.idx.msk [tilespmem:v9+s4+$0x0], $0xffff;
	v8 =	vadd.f32 v8, v7  }
0x1c2: {  	v7 =	vld.idx.msk [tilespmem:v9+s22+$0x0], $0xffff;
	v9 =	vmul.f32 v12, v2;
	v10 =	vmul.f32 v10, v3  }
0x1c3: {  	s14 =	simm.s32 $0x104;
	[tilespmem:s29+$0xFFFFFFD0] =	vst v8  }
0x1c4: {  	v8 =	vmov s14;
	v16 =	vld [tilespmem:s7+$0xFFFFFFE0];
	v9 =	vadd.f32 v10, v9  }
0x1c5: {  	s10 =	simm.s32 $0xC40;
	v17 =	vld [tilespmem:s8+$0xFFFFFFE0];
	v10 =	vmul.f32 v14, v0;
	v14 =	vmul.f32 v15, v1  }
0x1c6: {  	v12 =	vld [tilespmem:s10+$0xFFFFFFC0];
	[tilespmem:s20+$0xFFFFFFF0] =	vst v9  }
0x1c7: {  	v9 =	vmul.f32 v13, v6;
	v11 =	vmul.f32 v11, v7;
	v13 =	vld [tilespmem:s5+$0x0];
	v14 =	vadd.f32 v14, v10  }
0x1c8: {  	v15 =	vld [tilespmem:s6+$0x0]  }
0x1c9: {  	v10 =	vld.idx.msk [tilespmem:v8+s23+$0x0], $0xffff;
	v9 =	vadd.f32 v11, v9;
	[tilespmem:s19+$0x10] =	vst v14  }
0x1ca: {  	s14 =	simm.s32 $0x10BC0;
	v14 =	vmul.f32 v16, v4;
	v17 =	vmul.f32 v17, v5;
	v8 =	vld [tilespmem:s24+$0x20]  }
0x1cb: {  	[tilespmem:s14+$0xFFFFFFC0] =	vst v9;
	v11 =	vld [tilespmem:s25+$0x20]  }
0x1cc: {  	v16 =	vld [tilespmem:s0+$0xFFFFFFD0];
	v9 =	vadd.f32 v17, v14  }
0x1cd: {  	s12 =	simm.s32 $0x8C40;
	v17 =	vld [tilespmem:s9+$0xFFFFFFD0];
	v13 =	vmul.f32 v13, v2;
	v14 =	vmul.f32 v15, v3  }
0x1ce: {  	s11 =	simm.s32 $0x10BC0;
	s13 =	simm.s32 $0x105;
	v15 =	vld [tilespmem:s12+$0xFFFFFFC0];
	[tilespmem:s29+$0xFFFFFFE0] =	vst v9  }
.LBB2_6:
0x1cf: {  	p0 =	sne.s32 s13, $0x17F;
	v9 =	vld [tilespmem:s7+$0xFFFFFFF0];
	v13 =	vadd.f32 v14, v13  }
0x1d0: {  	v8 =	vmul.f32 v8, v0;
	v14 =	vld [tilespmem:s8+$0xFFFFFFF0];
	v11 =	vmul.f32 v11, v1  }
0x1d1: {  	v18 =	vld.idx.msk [tilespmem:v10+s4+$0x0], $0xffff;
	[tilespmem:s20+$0x0] =	vst v13  }
0x1d2: {  	v13 =	vmul.f32 v16, v6;
	v16 =	vmul.f32 v17, v7;
	v17 =	vld [tilespmem:s5+$0x10];
	v8 =	vadd.f32 v11, v8  }
0x1d3: {  	v11 =	vld [tilespmem:s6+$0x10]  }
0x1d4: {  	v19 =	vld.idx.msk [tilespmem:v10+s22+$0x0], $0xffff;
	v10 =	vadd.f32 v16, v13;
	[tilespmem:s19+$0x20] =	vst v8  }
0x1d5: {  	v8 =	vmul.f32 v9, v4;
	v9 =	vmul.f32 v14, v5;
	v13 =	vld [tilespmem:s24+$0x30];
	s24 =	smov.u32 s5;
	s5 =	smov.u32 s7;
	s7 =	smov.u32 s0  }
0x1d6: {  	s0 =	smov.u32 s10;
	[tilespmem:s14+$0xFFFFFFD0] =	vst v10;
	v10 =	vld [tilespmem:s25+$0x30];
	s25 =	smov.u32 s6;
	s6 =	smov.u32 s8  }
0x1d7: {  	v14 =	vmov s13;
	s8 =	smov.u32 s9;
	s9 =	smov.u32 s12;
	v16 =	vld [tilespmem:s7+$0xFFFFFFE0];
	v8 =	vadd.f32 v9, v8  }
0x1d8: {  	s10 =	sadd.s32 $0x80, s10;
	v17 =	vmul.f32 v17, v2;
	v9 =	vld [tilespmem:s8+$0xFFFFFFE0];
	v11 =	vmul.f32 v11, v3  }
0x1d9: {  	v20 =	vld [tilespmem:s10+$0xFFFFFFC0];
	[tilespmem:s29+$0xFFFFFFF0] =	vst v8  }
0x1da: {  	v8 =	vmul.f32 v12, v18;
	v12 =	vmul.f32 v15, v19;
	v15 =	vld [tilespmem:s5+$0x0];
	v11 =	vadd.f32 v11, v17  }
0x1db: {  	v13 =	vmul.f32 v13, v0;
	v0 =	vmovc v2;
	v2 =	vmovc v4;
	v4 =	vmov v6;
	v21 =	vld [tilespmem:s6+$0x0];
	v17 =	vmul.f32 v10, v1  }
0x1dc: {  	v6 =	vmovc v18;
	v22 =	vadd.f32 v12, v8;
	v1 =	vmov v3;
	v3 =	vmov v5;
	v10 =	vld.idx.msk [tilespmem:v14+s23+$0x0], $0xffff;
	[tilespmem:s20+$0x10] =	vst v11  }
.Ltmp2:
0x1dd: {  	s14 =	sadd.s32 $0x80, s14;
	v5 =	vmovc v7;
	v14 =	vmul.f32 v16, v4;
	v9 =	vmul.f32 v9, v7;
	v8 =	vld [tilespmem:s24+$0x20];
	v13 =	vadd.f32 v17, v13;
	(pc) =	sbr.rel @p0 .LBB2_6-.Ltmp2, $4  }
0x1de: {  	v7 =	vmov v19;
	[tilespmem:s14+$0xFFFFFFC0] =	vst v22;
	v11 =	vld [tilespmem:s25+$0x20];
	v12 =	vmov v20  }
0x1df: {  	v16 =	vld [tilespmem:s0+$0xFFFFFFD0];
	v9 =	vadd.f32 v9, v14;
	[tilespmem:s19+$0x30] =	vst v13;
	s19 =	smov.u32 s20;
	s20 =	smov.u32 s29;
	s29 =	smov.u32 s11  }
0x1e0: {  	s12 =	sadd.s32 $0x80, s12;
	v13 =	vmul.f32 v15, v2;
	s11 =	smov.u32 s14;
	v17 =	vld [tilespmem:s9+$0xFFFFFFD0];
	v14 =	vmul.f32 v21, v3  }
0x1e1: {  	s13 =	sadd.s32 $0x1, s13;
	v15 =	vld [tilespmem:s12+$0xFFFFFFC0];
	[tilespmem:s29+$0xFFFFFFE0] =	vst v9  }
0x1e2: {  	_ =	sdelay $0x3  }
0x1e3: {  	v9 =	vld.idx.msk [tilespmem:v10+s4+$0x0], $0xffff  }
0x1e4: {  	v10 =	vld.idx.msk [tilespmem:v10+s22+$0x0], $0xffff;
	_ =	sdelay $0x4  }
0x1e5: {  	v12 =	vmul.f32 v12, v9;
	v15 =	vmul.f32 v15, v10;
	_ =	sdelay $0x1  }
0x1e6: {  	v12 =	vadd.f32 v15, v12  }
0x1e7: {  	s13 =	sadd.s32 $0x80, s14  }
0x1e8: {  	[tilespmem:s13+$0xFFFFFFC0] =	vst v12  }
0x1e9: {  	v12 =	vld [tilespmem:s10+$0xFFFFFFD0]  }
0x1ea: {  	v15 =	vld [tilespmem:s12+$0xFFFFFFD0];
	_ =	sdelay $0x2  }
0x1eb: {  	v16 =	vmul.f32 v16, v6;
	v17 =	vmul.f32 v17, v7;
	_ =	sdelay $0x1  }
0x1ec: {  	v16 =	vadd.f32 v17, v16;
	v12 =	vmul.f32 v12, v9;
	v15 =	vmul.f32 v15, v10;
	_ =	sdelay $0x1  }
0x1ed: {  	[tilespmem:s14+$0xFFFFFFD0] =	vst v16;
	v12 =	vadd.f32 v15, v12  }
0x1ee: {  	v16 =	vld [tilespmem:s9+$0xFFFFFFE0]  }
0x1ef: {  	v15 =	vld [tilespmem:s0+$0xFFFFFFE0];
	[tilespmem:s13+$0xFFFFFFD0] =	vst v12  }
0x1f0: {  	v12 =	vld [tilespmem:s10+$0xFFFFFFE0]  }
0x1f1: {  	v17 =	vld [tilespmem:s12+$0xFFFFFFE0];
	_ =	sdelay $0x2  }
0x1f2: {  	v16 =	vmul.f32 v16, v7;
	v15 =	vmul.f32 v15, v6;
	_ =	sdelay $0x1  }
0x1f3: {  	v15 =	vadd.f32 v16, v15;
	v12 =	vmul.f32 v12, v9;
	v16 =	vmul.f32 v17, v10  }
0x1f4: {  	v18 =	vld [tilespmem:s8+$0xFFFFFFF0]  }
0x1f5: {  	v17 =	vld [tilespmem:s7+$0xFFFFFFF0];
	[tilespmem:s11+$0xFFFFFFE0] =	vst v15;
	v12 =	vadd.f32 v16, v12  }
0x1f6: {  	v15 =	vld [tilespmem:s0+$0xFFFFFFF0]  }
0x1f7: {  	v16 =	vld [tilespmem:s9+$0xFFFFFFF0];
	[tilespmem:s13+$0xFFFFFFE0] =	vst v12  }
0x1f8: {  	v12 =	vld [tilespmem:s10+$0xFFFFFFF0]  }
0x1f9: {  	v19 =	vld [tilespmem:s12+$0xFFFFFFF0]  }
0x1fa: {  	v18 =	vmul.f32 v18, v5;
	v17 =	vmul.f32 v17, v4;
	_ =	sdelay $0x1  }
0x1fb: {  	v17 =	vadd.f32 v18, v17;
	v15 =	vmul.f32 v15, v6;
	v16 =	vmul.f32 v16, v7;
	_ =	sdelay $0x1  }
0x1fc: {  	[tilespmem:s29+$0xFFFFFFF0] =	vst v17;
	v15 =	vadd.f32 v16, v15;
	v12 =	vmul.f32 v12, v9;
	v16 =	vmul.f32 v19, v10  }
0x1fd: {  	v17 =	vld [tilespmem:s7+$0x0]  }
0x1fe: {  	v18 =	vld [tilespmem:s8+$0x0];
	[tilespmem:s11+$0xFFFFFFF0] =	vst v15;
	v12 =	vadd.f32 v16, v12  }
0x1ff: {  	v15 =	vld [tilespmem:s0+$0x0]  }
0x200: {  	v16 =	vld [tilespmem:s9+$0x0];
	[tilespmem:s13+$0xFFFFFFF0] =	vst v12  }
0x201: {  	v12 =	vld [tilespmem:s10+$0x0]  }
0x202: {  	v19 =	vld [tilespmem:s12+$0x0]  }
0x203: {  	v13 =	vadd.f32 v14, v13;
	v14 =	vmul.f32 v17, v4;
	v17 =	vmul.f32 v18, v5;
	_ =	sdelay $0x1  }
0x204: {  	[tilespmem:s20+$0x0] =	vst v13;
	v13 =	vadd.f32 v17, v14;
	v14 =	vmul.f32 v15, v6;
	v15 =	vmul.f32 v16, v7  }
0x205: {  	v16 =	vld [tilespmem:s5+$0x10]  }
0x206: {  	v17 =	vld [tilespmem:s6+$0x10];
	[tilespmem:s29+$0x0] =	vst v13;
	v13 =	vadd.f32 v15, v14;
	v12 =	vmul.f32 v12, v9;
	v14 =	vmul.f32 v19, v10  }
0x207: {  	v15 =	vld [tilespmem:s7+$0x10]  }
0x208: {  	v18 =	vld [tilespmem:s8+$0x10];
	[tilespmem:s11+$0x0] =	vst v13;
	v12 =	vadd.f32 v14, v12  }
0x209: {  	v13 =	vld [tilespmem:s0+$0x10]  }
0x20a: {  	v14 =	vld [tilespmem:s9+$0x10];
	[tilespmem:s13+$0x0] =	vst v12  }
0x20b: {  	v12 =	vmul.f32 v16, v2;
	v16 =	vmul.f32 v17, v3;
	v17 =	vld [tilespmem:s10+$0x10]  }
0x20c: {  	v19 =	vld [tilespmem:s12+$0x10]  }
0x20d: {  	v15 =	vmul.f32 v15, v4;
	v12 =	vadd.f32 v16, v12;
	v16 =	vmul.f32 v18, v5;
	_ =	sdelay $0x1  }
0x20e: {  	v13 =	vmul.f32 v13, v6;
	v14 =	vmul.f32 v14, v7;
	[tilespmem:s20+$0x10] =	vst v12;
	v12 =	vadd.f32 v16, v15  }
0x20f: {  	v15 =	vld [tilespmem:s5+$0x20]  }
0x210: {  	v16 =	vld [tilespmem:s6+$0x20];
	[tilespmem:s29+$0x10] =	vst v12;
	v12 =	vadd.f32 v14, v13;
	v13 =	vmul.f32 v17, v9;
	v14 =	vmul.f32 v19, v10  }
0x211: {  	v17 =	vld [tilespmem:s7+$0x20]  }
0x212: {  	v18 =	vld [tilespmem:s8+$0x20];
	[tilespmem:s11+$0x10] =	vst v12;
	v12 =	vadd.f32 v14, v13  }
0x213: {  	v8 =	vmul.f32 v8, v0;
	v11 =	vmul.f32 v11, v1;
	v13 =	vld [tilespmem:s0+$0x20]  }
0x214: {  	v14 =	vld [tilespmem:s9+$0x20];
	[tilespmem:s13+$0x10] =	vst v12  }
0x215: {  	v8 =	vadd.f32 v11, v8;
	v11 =	vmul.f32 v15, v2;
	v12 =	vmul.f32 v16, v3;
	v15 =	vld [tilespmem:s10+$0x20]  }
0x216: {  	v16 =	vld [tilespmem:s12+$0x20]  }
0x217: {  	[tilespmem:s19+$0x20] =	vst v8;
	v8 =	vadd.f32 v12, v11;
	v11 =	vmul.f32 v17, v4;
	v12 =	vmul.f32 v18, v5  }
0x218: {  	v17 =	vld [tilespmem:s24+$0x30]  }
0x219: {  	v18 =	vld [tilespmem:s25+$0x30];
	[tilespmem:s20+$0x20] =	vst v8;
	v8 =	vadd.f32 v12, v11;
	v11 =	vmul.f32 v13, v6;
	v12 =	vmul.f32 v14, v7  }
0x21a: {  	v13 =	vld [tilespmem:s5+$0x30]  }
0x21b: {  	v14 =	vld [tilespmem:s6+$0x30];
	[tilespmem:s29+$0x20] =	vst v8;
	v8 =	vadd.f32 v12, v11;
	v11 =	vmul.f32 v15, v9;
	v12 =	vmul.f32 v16, v10  }
0x21c: {  	v15 =	vld [tilespmem:s7+$0x30]  }
0x21d: {  	v16 =	vld [tilespmem:s8+$0x30];
	[tilespmem:s11+$0x20] =	vst v8;
	v8 =	vadd.f32 v12, v11  }
0x21e: {  	v11 =	vld [tilespmem:s0+$0x30]  }
0x21f: {  	v12 =	vld [tilespmem:s9+$0x30];
	[tilespmem:s13+$0x20] =	vst v8  }
0x220: {  	v8 =	vld [tilespmem:s10+$0x30]  }
0x221: {  	v19 =	vld [tilespmem:s12+$0x30]  }
0x222: {  	v0 =	vmul.f32 v17, v0;
	v1 =	vmul.f32 v18, v1  }
0x223: {  	v2 =	vmul.f32 v13, v2;
	v3 =	vmul.f32 v14, v3  }
0x224: {  	v0 =	vadd.f32 v1, v0;
	v1 =	vmul.f32 v15, v4;
	v4 =	vmul.f32 v16, v5  }
0x225: {  	v2 =	vadd.f32 v3, v2;
	v3 =	vmul.f32 v11, v6;
	v5 =	vmul.f32 v12, v7  }
0x226: {  	[tilespmem:s19+$0x30] =	vst v0;
	v0 =	vadd.f32 v4, v1;
	v1 =	vmul.f32 v8, v9;
	v4 =	vmul.f32 v19, v10  }
0x227: {  	[tilespmem:s20+$0x30] =	vst v2;
	v2 =	vadd.f32 v5, v3  }
0x228: {  	[tilespmem:s29+$0x30] =	vst v0;
	v0 =	vadd.f32 v4, v1  }
0x229: {  	[tilespmem:s11+$0x30] =	vst v2  }
0x22a: {  	s9 =	simm.s32 $0x10A00;
	[tilespmem:s13+$0x30] =	vst v0  }
0x22b: {  	[hbm4b:s16+s4] =	stream.linear.scatter [tilespmem:s9], [sflag:$0x5], $0x4000, $0x38;
	[tilespmem:$0x18A00] =	vst v63  }
0x22c: {  	_ =	swait.ge [sflag:s30], $0x4000  }
0x22d: {  	[sflag:s30] =	ssyncset.done $0x0  }
0x22e: {  	[sflag:s30] =	ssyncadd.s32 $0xFFFFC000  }
0x22f: {  	s10 =	simm.s32 $0x180;
	_ =	swait.ge [sflag:s31], $0x4000  }
0x230: {  	v0 =	vmov s10;
	[sflag:s31] =	ssyncset.done $0x0  }
0x231: {  	[sflag:s31] =	ssyncadd.s32 $0xFFFFC000  }
0x232: {  	_ =	swait.ge [sflag:s2], $0x4000  }
0x233: {  	[sflag:s2] =	ssyncset.done $0x0  }
0x234: {  	[sflag:s2] =	ssyncadd.s32 $0xFFFFC000  }
0x235: {  	v1 =	vld.idx.msk [tilespmem:v0+s23+$0x0], $0xffff;
	_ =	sdelay $0x4  }
0x236: {  	s24 =	simm.s32 $0x4A40  }
0x237: {  	s25 =	simm.s32 $0xCA40;
	v2 =	vld [tilespmem:s24+$0xFFFFFFC0]  }
0x238: {  	v3 =	vld [tilespmem:s25+$0xFFFFFFC0]  }
0x239: {  	v0 =	vld.idx.msk [tilespmem:v1+s4+$0x0], $0xffff  }
0x23a: {  	v1 =	vld.idx.msk [tilespmem:v1+s22+$0x0], $0xffff;
	_ =	sdelay $0x2  }
0x23b: {  	s11 =	simm.s32 $0x181  }
0x23c: {  	v4 =	vmov s11  }
0x23d: {  	v2 =	vmul.f32 v2, v0;
	v3 =	vmul.f32 v3, v1;
	_ =	sdelay $0x1  }
0x23e: {  	v2 =	vadd.f32 v3, v2  }
0x23f: {  	s19 =	simm.s32 $0x14A40  }
0x240: {  	v3 =	vld.idx.msk [tilespmem:v4+s23+$0x0], $0xffff;
	[tilespmem:s19+$0xFFFFFFC0] =	vst v2  }
0x241: {  	v2 =	vld [tilespmem:s24+$0xFFFFFFD0]  }
0x242: {  	v4 =	vld [tilespmem:s25+$0xFFFFFFD0];
	_ =	sdelay $0x3  }
0x243: {  	s5 =	simm.s32 $0x4AC0  }
0x244: {  	s6 =	simm.s32 $0xCAC0;
	v5 =	vld [tilespmem:s5+$0xFFFFFFC0];
	v6 =	vmul.f32 v2, v0;
	v4 =	vmul.f32 v4, v1  }
0x245: {  	v7 =	vld [tilespmem:s6+$0xFFFFFFC0]  }
0x246: {  	v2 =	vld.idx.msk [tilespmem:v3+s4+$0x0], $0xffff;
	v4 =	vadd.f32 v4, v6  }
0x247: {  	v3 =	vld.idx.msk [tilespmem:v3+s22+$0x0], $0xffff  }
0x248: {  	[tilespmem:s19+$0xFFFFFFD0] =	vst v4  }
0x249: {  	v4 =	vld [tilespmem:s24+$0xFFFFFFE0]  }
0x24a: {  	s12 =	simm.s32 $0x182;
	v6 =	vld [tilespmem:s25+$0xFFFFFFE0]  }
0x24b: {  	v8 =	vmov s12  }
0x24c: {  	v5 =	vmul.f32 v5, v2;
	v7 =	vmul.f32 v7, v3;
	_ =	sdelay $0x1  }
0x24d: {  	v5 =	vadd.f32 v7, v5  }
0x24e: {  	s20 =	simm.s32 $0x14AC0;
	v4 =	vmul.f32 v4, v0;
	v6 =	vmul.f32 v6, v1  }
0x24f: {  	v7 =	vld.idx.msk [tilespmem:v8+s23+$0x0], $0xffff;
	[tilespmem:s20+$0xFFFFFFC0] =	vst v5  }
0x250: {  	v5 =	vld [tilespmem:s5+$0xFFFFFFD0];
	v4 =	vadd.f32 v6, v4  }
0x251: {  	v6 =	vld [tilespmem:s6+$0xFFFFFFD0]  }
0x252: {  	[tilespmem:s19+$0xFFFFFFE0] =	vst v4  }
0x253: {  	v8 =	vld [tilespmem:s24+$0xFFFFFFF0]  }
0x254: {  	v9 =	vld [tilespmem:s25+$0xFFFFFFF0]  }
0x255: {  	s7 =	simm.s32 $0x4B40  }
0x256: {  	s8 =	simm.s32 $0xCB40;
	v10 =	vld [tilespmem:s7+$0xFFFFFFC0];
	v5 =	vmul.f32 v5, v2;
	v6 =	vmul.f32 v6, v3  }
0x257: {  	v11 =	vld [tilespmem:s8+$0xFFFFFFC0]  }
0x258: {  	v4 =	vld.idx.msk [tilespmem:v7+s4+$0x0], $0xffff;
	v6 =	vadd.f32 v6, v5  }
0x259: {  	v5 =	vld.idx.msk [tilespmem:v7+s22+$0x0], $0xffff;
	v7 =	vmul.f32 v8, v0;
	v8 =	vmul.f32 v9, v1  }
0x25a: {  	[tilespmem:s20+$0xFFFFFFD0] =	vst v6  }
0x25b: {  	v6 =	vld [tilespmem:s5+$0xFFFFFFE0];
	v7 =	vadd.f32 v8, v7  }
0x25c: {  	s13 =	simm.s32 $0x183;
	v8 =	vld [tilespmem:s6+$0xFFFFFFE0]  }
0x25d: {  	v9 =	vmov s13;
	[tilespmem:s19+$0xFFFFFFF0] =	vst v7  }
0x25e: {  	v7 =	vmul.f32 v10, v4;
	v10 =	vmul.f32 v11, v5;
	v11 =	vld [tilespmem:s24+$0x0]  }
0x25f: {  	v12 =	vld [tilespmem:s25+$0x0]  }
0x260: {  	v7 =	vadd.f32 v10, v7  }
0x261: {  	s29 =	simm.s32 $0x14B40;
	v6 =	vmul.f32 v6, v2;
	v8 =	vmul.f32 v8, v3  }
0x262: {  	v9 =	vld.idx.msk [tilespmem:v9+s23+$0x0], $0xffff;
	[tilespmem:s29+$0xFFFFFFC0] =	vst v7  }
0x263: {  	v7 =	vld [tilespmem:s7+$0xFFFFFFD0];
	v6 =	vadd.f32 v8, v6  }
0x264: {  	s0 =	simm.s32 $0x4BC0;
	v8 =	vld [tilespmem:s8+$0xFFFFFFD0];
	v10 =	vmul.f32 v11, v0;
	v11 =	vmul.f32 v12, v1  }
0x265: {  	v13 =	vld [tilespmem:s0+$0xFFFFFFC0];
	[tilespmem:s20+$0xFFFFFFE0] =	vst v6  }
0x266: {  	v12 =	vld [tilespmem:s5+$0xFFFFFFF0];
	v6 =	vadd.f32 v11, v10  }
0x267: {  	s9 =	simm.s32 $0xCBC0;
	v10 =	vld [tilespmem:s6+$0xFFFFFFF0]  }
0x268: {  	v11 =	vld [tilespmem:s9+$0xFFFFFFC0];
	[tilespmem:s19+$0x0] =	vst v6  }
0x269: {  	v7 =	vmul.f32 v7, v4;
	v8 =	vmul.f32 v8, v5;
	v14 =	vld [tilespmem:s24+$0x10]  }
0x26a: {  	v15 =	vld [tilespmem:s25+$0x10]  }
0x26b: {  	v6 =	vld.idx.msk [tilespmem:v9+s4+$0x0], $0xffff;
	v8 =	vadd.f32 v8, v7  }
0x26c: {  	v7 =	vld.idx.msk [tilespmem:v9+s22+$0x0], $0xffff;
	v9 =	vmul.f32 v12, v2;
	v10 =	vmul.f32 v10, v3  }
0x26d: {  	s14 =	simm.s32 $0x184;
	[tilespmem:s29+$0xFFFFFFD0] =	vst v8  }
0x26e: {  	v8 =	vmov s14;
	v16 =	vld [tilespmem:s7+$0xFFFFFFE0];
	v9 =	vadd.f32 v10, v9  }
0x26f: {  	s10 =	simm.s32 $0x4C40;
	v17 =	vld [tilespmem:s8+$0xFFFFFFE0];
	v10 =	vmul.f32 v14, v0;
	v14 =	vmul.f32 v15, v1  }
0x270: {  	v12 =	vld [tilespmem:s10+$0xFFFFFFC0];
	[tilespmem:s20+$0xFFFFFFF0] =	vst v9  }
0x271: {  	v9 =	vmul.f32 v13, v6;
	v11 =	vmul.f32 v11, v7;
	v13 =	vld [tilespmem:s5+$0x0];
	v14 =	vadd.f32 v14, v10  }
0x272: {  	v15 =	vld [tilespmem:s6+$0x0]  }
0x273: {  	v10 =	vld.idx.msk [tilespmem:v8+s23+$0x0], $0xffff;
	v9 =	vadd.f32 v11, v9;
	[tilespmem:s19+$0x10] =	vst v14  }
0x274: {  	s14 =	simm.s32 $0x14BC0;
	v14 =	vmul.f32 v16, v4;
	v17 =	vmul.f32 v17, v5;
	v8 =	vld [tilespmem:s24+$0x20]  }
0x275: {  	[tilespmem:s14+$0xFFFFFFC0] =	vst v9;
	v11 =	vld [tilespmem:s25+$0x20]  }
0x276: {  	v16 =	vld [tilespmem:s0+$0xFFFFFFD0];
	v9 =	vadd.f32 v17, v14  }
0x277: {  	s12 =	simm.s32 $0xCC40;
	v17 =	vld [tilespmem:s9+$0xFFFFFFD0];
	v13 =	vmul.f32 v13, v2;
	v14 =	vmul.f32 v15, v3  }
0x278: {  	s11 =	simm.s32 $0x14BC0;
	s13 =	simm.s32 $0x185;
	v15 =	vld [tilespmem:s12+$0xFFFFFFC0];
	[tilespmem:s29+$0xFFFFFFE0] =	vst v9  }
.LBB2_8:
0x279: {  	p0 =	sne.s32 s13, $0x1FF;
	v9 =	vld [tilespmem:s7+$0xFFFFFFF0];
	v13 =	vadd.f32 v14, v13  }
0x27a: {  	v8 =	vmul.f32 v8, v0;
	v14 =	vld [tilespmem:s8+$0xFFFFFFF0];
	v11 =	vmul.f32 v11, v1  }
0x27b: {  	v18 =	vld.idx.msk [tilespmem:v10+s4+$0x0], $0xffff;
	[tilespmem:s20+$0x0] =	vst v13  }
0x27c: {  	v13 =	vmul.f32 v16, v6;
	v16 =	vmul.f32 v17, v7;
	v17 =	vld [tilespmem:s5+$0x10];
	v8 =	vadd.f32 v11, v8  }
0x27d: {  	v11 =	vld [tilespmem:s6+$0x10]  }
0x27e: {  	v19 =	vld.idx.msk [tilespmem:v10+s22+$0x0], $0xffff;
	v10 =	vadd.f32 v16, v13;
	[tilespmem:s19+$0x20] =	vst v8  }
0x27f: {  	v8 =	vmul.f32 v9, v4;
	v9 =	vmul.f32 v14, v5;
	v13 =	vld [tilespmem:s24+$0x30];
	s24 =	smov.u32 s5;
	s5 =	smov.u32 s7;
	s7 =	smov.u32 s0  }
0x280: {  	s0 =	smov.u32 s10;
	[tilespmem:s14+$0xFFFFFFD0] =	vst v10;
	v10 =	vld [tilespmem:s25+$0x30];
	s25 =	smov.u32 s6;
	s6 =	smov.u32 s8  }
0x281: {  	v14 =	vmov s13;
	s8 =	smov.u32 s9;
	s9 =	smov.u32 s12;
	v16 =	vld [tilespmem:s7+$0xFFFFFFE0];
	v8 =	vadd.f32 v9, v8  }
0x282: {  	s10 =	sadd.s32 $0x80, s10;
	v17 =	vmul.f32 v17, v2;
	v9 =	vld [tilespmem:s8+$0xFFFFFFE0];
	v11 =	vmul.f32 v11, v3  }
0x283: {  	v20 =	vld [tilespmem:s10+$0xFFFFFFC0];
	[tilespmem:s29+$0xFFFFFFF0] =	vst v8  }
0x284: {  	v8 =	vmul.f32 v12, v18;
	v12 =	vmul.f32 v15, v19;
	v15 =	vld [tilespmem:s5+$0x0];
	v11 =	vadd.f32 v11, v17  }
0x285: {  	v13 =	vmul.f32 v13, v0;
	v0 =	vmovc v2;
	v2 =	vmovc v4;
	v4 =	vmov v6;
	v21 =	vld [tilespmem:s6+$0x0];
	v17 =	vmul.f32 v10, v1  }
0x286: {  	v6 =	vmovc v18;
	v22 =	vadd.f32 v12, v8;
	v1 =	vmov v3;
	v3 =	vmov v5;
	v10 =	vld.idx.msk [tilespmem:v14+s23+$0x0], $0xffff;
	[tilespmem:s20+$0x10] =	vst v11  }
.Ltmp3:
0x287: {  	s14 =	sadd.s32 $0x80, s14;
	v5 =	vmovc v7;
	v14 =	vmul.f32 v16, v4;
	v9 =	vmul.f32 v9, v7;
	v8 =	vld [tilespmem:s24+$0x20];
	v13 =	vadd.f32 v17, v13;
	(pc) =	sbr.rel @p0 .LBB2_8-.Ltmp3, $4  }
0x288: {  	v7 =	vmov v19;
	[tilespmem:s14+$0xFFFFFFC0] =	vst v22;
	v11 =	vld [tilespmem:s25+$0x20];
	v12 =	vmov v20  }
0x289: {  	v16 =	vld [tilespmem:s0+$0xFFFFFFD0];
	v9 =	vadd.f32 v9, v14;
	[tilespmem:s19+$0x30] =	vst v13;
	s19 =	smov.u32 s20;
	s20 =	smov.u32 s29;
	s29 =	smov.u32 s11  }
0x28a: {  	s12 =	sadd.s32 $0x80, s12;
	v13 =	vmul.f32 v15, v2;
	s11 =	smov.u32 s14;
	v17 =	vld [tilespmem:s9+$0xFFFFFFD0];
	v14 =	vmul.f32 v21, v3  }
0x28b: {  	s13 =	sadd.s32 $0x1, s13;
	v15 =	vld [tilespmem:s12+$0xFFFFFFC0];
	[tilespmem:s29+$0xFFFFFFE0] =	vst v9  }
0x28c: {  	_ =	sdelay $0x3  }
0x28d: {  	v9 =	vld.idx.msk [tilespmem:v10+s4+$0x0], $0xffff  }
0x28e: {  	v10 =	vld.idx.msk [tilespmem:v10+s22+$0x0], $0xffff;
	_ =	sdelay $0x4  }
0x28f: {  	v12 =	vmul.f32 v12, v9;
	v15 =	vmul.f32 v15, v10;
	_ =	sdelay $0x1  }
0x290: {  	v12 =	vadd.f32 v15, v12  }
0x291: {  	s13 =	sadd.s32 $0x80, s14  }
0x292: {  	[tilespmem:s13+$0xFFFFFFC0] =	vst v12  }
0x293: {  	v12 =	vld [tilespmem:s10+$0xFFFFFFD0]  }
0x294: {  	v33 =	vld [tilespmem:s12+$0xFFFFFFD0];
	_ =	sdelay $0x2  }
0x295: {  	v16 =	vmul.f32 v16, v6;
	v17 =	vmul.f32 v17, v7;
	_ =	sdelay $0x1  }
0x296: {  	v16 =	vadd.f32 v17, v16;
	v12 =	vmul.f32 v12, v9;
	v15 =	vmul.f32 v33, v10;
	_ =	sdelay $0x1  }
0x297: {  	[tilespmem:s14+$0xFFFFFFD0] =	vst v16;
	v12 =	vadd.f32 v15, v12  }
0x298: {  	v34 =	vld [tilespmem:s0+$0xFFFFFFE0]  }
0x299: {  	v16 =	vld [tilespmem:s9+$0xFFFFFFE0];
	[tilespmem:s13+$0xFFFFFFD0] =	vst v12  }
0x29a: {  	v12 =	vld [tilespmem:s10+$0xFFFFFFE0]  }
0x29b: {  	v35 =	vld [tilespmem:s12+$0xFFFFFFE0];
	_ =	sdelay $0x2  }
0x29c: {  	v16 =	vmul.f32 v16, v7;
	v15 =	vmul.f32 v34, v6  }
0x29d: {  	v37 =	vld [tilespmem:s7+$0xFFFFFFF0]  }
0x29e: {  	v18 =	vld [tilespmem:s8+$0xFFFFFFF0];
	v15 =	vadd.f32 v16, v15;
	v12 =	vmul.f32 v12, v9;
	v36 =	vmul.f32 v35, v10;
	_ =	sdelay $0x1  }
0x29f: {  	[tilespmem:s11+$0xFFFFFFE0] =	vst v15;
	v12 =	vadd.f32 v36, v12  }
0x2a0: {  	v15 =	vld [tilespmem:s0+$0xFFFFFFF0]  }
0x2a1: {  	v38 =	vld [tilespmem:s9+$0xFFFFFFF0];
	[tilespmem:s13+$0xFFFFFFE0] =	vst v12  }
0x2a2: {  	v17 =	vmul.f32 v37, v4;
	v18 =	vmul.f32 v18, v5;
	v12 =	vld [tilespmem:s10+$0xFFFFFFF0]  }
0x2a3: {  	v19 =	vld [tilespmem:s12+$0xFFFFFFF0]  }
0x2a4: {  	v17 =	vadd.f32 v18, v17;
	_ =	sdelay $0x1  }
0x2a5: {  	[tilespmem:s29+$0xFFFFFFF0] =	vst v17;
	v15 =	vmul.f32 v15, v6;
	v16 =	vmul.f32 v38, v7  }
0x2a6: {  	v17 =	vld [tilespmem:s7+$0x0]  }
0x2a7: {  	v40 =	vld [tilespmem:s8+$0x0];
	v15 =	vadd.f32 v16, v15;
	v12 =	vmul.f32 v12, v9;
	v39 =	vmul.f32 v19, v10;
	_ =	sdelay $0x1  }
0x2a8: {  	[tilespmem:s11+$0xFFFFFFF0] =	vst v15;
	v12 =	vadd.f32 v39, v12  }
0x2a9: {  	v15 =	vld [tilespmem:s0+$0x0]  }
0x2aa: {  	v41 =	vld [tilespmem:s9+$0x0];
	[tilespmem:s13+$0xFFFFFFF0] =	vst v12  }
0x2ab: {  	v43 =	vmul.f32 v17, v4;
	v44 =	vmul.f32 v40, v5;
	v12 =	vld [tilespmem:s10+$0x0]  }
0x2ac: {  	v42 =	vld [tilespmem:s12+$0x0]  }
0x2ad: {  	v45 =	vadd.f32 v44, v43;
	_ =	sdelay $0x1  }
0x2ae: {  	v13 =	vadd.f32 v14, v13;
	[tilespmem:s29+$0x0] =	vst v45;
	v46 =	vmul.f32 v15, v6;
	v47 =	vmul.f32 v41, v7  }
0x2af: {  	v52 =	vld [tilespmem:s7+$0x10]  }
0x2b0: {  	[tilespmem:s20+$0x0] =	vst v13;
	v53 =	vld [tilespmem:s8+$0x10];
	v50 =	vadd.f32 v47, v46;
	v12 =	vmul.f32 v12, v9;
	v51 =	vmul.f32 v42, v10  }
0x2b1: {  	v48 =	vld [tilespmem:s5+$0x10]  }
0x2b2: {  	v49 =	vld [tilespmem:s6+$0x10];
	[tilespmem:s11+$0x0] =	vst v50;
	v12 =	vadd.f32 v51, v12  }
0x2b3: {  	v13 =	vld [tilespmem:s0+$0x10]  }
0x2b4: {  	v54 =	vld [tilespmem:s9+$0x10];
	[tilespmem:s13+$0x0] =	vst v12  }
0x2b5: {  	v59 =	vmul.f32 v53, v5;
	v15 =	vmul.f32 v52, v4;
	v57 =	vld [tilespmem:s10+$0x10]  }
0x2b6: {  	v58 =	vld [tilespmem:s12+$0x10]  }
0x2b7: {  	v55 =	vmul.f32 v48, v2;
	v56 =	vmul.f32 v49, v3;
	v60 =	vadd.f32 v59, v15;
	_ =	sdelay $0x1  }
0x2b8: {  	[tilespmem:s29+$0x10] =	vst v60;
	v13 =	vmul.f32 v13, v6;
	v14 =	vmul.f32 v54, v7;
	v12 =	vadd.f32 v56, v55  }
0x2b9: {  	v23 =	vld [tilespmem:s7+$0x20]  }
0x2ba: {  	v24 =	vld [tilespmem:s8+$0x20];
	v63 =	vadd.f32 v14, v13;
	[tilespmem:s20+$0x10] =	vst v12;
	v21 =	vmul.f32 v57, v9;
	v22 =	vmul.f32 v58, v10  }
0x2bb: {  	v61 =	vld [tilespmem:s5+$0x20]  }
0x2bc: {  	[tilespmem:s11+$0x10] =	vst v63;
	v62 =	vld [tilespmem:s6+$0x20];
	v25 =	vadd.f32 v22, v21  }
0x2bd: {  	v8 =	vmul.f32 v8, v0;
	v11 =	vmul.f32 v11, v1;
	v26 =	vld [tilespmem:s0+$0x20]  }
0x2be: {  	v27 =	vld [tilespmem:s9+$0x20];
	[tilespmem:s13+$0x10] =	vst v25  }
0x2bf: {  	v8 =	vadd.f32 v11, v8;
	v33 =	vmul.f32 v23, v4;
	v34 =	vmul.f32 v24, v5;
	v30 =	vld [tilespmem:s10+$0x20]  }
0x2c0: {  	v31 =	vld [tilespmem:s12+$0x20]  }
0x2c1: {  	[tilespmem:s19+$0x20] =	vst v8;
	v37 =	vadd.f32 v34, v33;
	v28 =	vmul.f32 v61, v2;
	v29 =	vmul.f32 v62, v3  }
0x2c2: {  	v35 =	vld [tilespmem:s24+$0x30]  }
0x2c3: {  	v36 =	vld [tilespmem:s25+$0x30];
	[tilespmem:s29+$0x20] =	vst v37;
	v38 =	vmul.f32 v26, v6;
	v39 =	vmul.f32 v27, v7;
	v32 =	vadd.f32 v29, v28  }
0x2c4: {  	v45 =	vld [tilespmem:s7+$0x30]  }
0x2c5: {  	v46 =	vld [tilespmem:s8+$0x30];
	v42 =	vadd.f32 v39, v38;
	[tilespmem:s20+$0x20] =	vst v32;
	v43 =	vmul.f32 v30, v9;
	v44 =	vmul.f32 v31, v10  }
0x2c6: {  	v40 =	vld [tilespmem:s5+$0x30]  }
0x2c7: {  	[tilespmem:s11+$0x20] =	vst v42;
	v41 =	vld [tilespmem:s6+$0x30];
	v47 =	vadd.f32 v44, v43  }
0x2c8: {  	v48 =	vld [tilespmem:s0+$0x30]  }
0x2c9: {  	v49 =	vld [tilespmem:s9+$0x30];
	[tilespmem:s13+$0x20] =	vst v47  }
0x2ca: {  	v8 =	vld [tilespmem:s10+$0x30]  }
0x2cb: {  	v50 =	vld [tilespmem:s12+$0x30]  }
0x2cc: {  	v52 =	vmul.f32 v36, v1;
	v51 =	vmul.f32 v35, v0  }
0x2cd: {  	v55 =	vmul.f32 v45, v4;
	v56 =	vmul.f32 v46, v5  }
0x2ce: {  	v0 =	vadd.f32 v52, v51;
	v53 =	vmul.f32 v40, v2;
	v54 =	vmul.f32 v41, v3  }
0x2cf: {  	v59 =	vadd.f32 v56, v55;
	v57 =	vmul.f32 v48, v6;
	v58 =	vmul.f32 v49, v7  }
0x2d0: {  	[tilespmem:s19+$0x30] =	vst v0;
	v2 =	vadd.f32 v54, v53;
	v60 =	vmul.f32 v8, v9;
	v61 =	vmul.f32 v50, v10  }
0x2d1: {  	[tilespmem:s29+$0x30] =	vst v59;
	v62 =	vadd.f32 v58, v57  }
0x2d2: {  	[tilespmem:s20+$0x30] =	vst v2;
	v63 =	vadd.f32 v61, v60  }
0x2d3: {  	[tilespmem:s11+$0x30] =	vst v62  }
0x2d4: {  	s3 =	sadd.s32 $0x1, s3;
	s29 =	simm.s32 $0x14A00;
	[tilespmem:s13+$0x30] =	vst v63  }
0x2d5: {  	[hbm4b:s17+s4] =	stream.linear.scatter [tilespmem:s29], [sflag:$0x6], $0x4000, $0x38;
	[tilespmem:$0x18A00] =	vst v63  }
0x2d6: {  	p0 =	sne.s32 s3, s18;
	_ =	swait.ge [sflag:s1], $0x4000  }
.Ltmp4:
0x2d7: {  	[sflag:s1] =	ssyncset.done $0x0;
	(pc) =	sbr.rel @p0 .LBB2_1-.Ltmp4, $4  }
0x2d8: {  	[sflag:s1] =	ssyncadd.s32 $0xFFFFC000  }
0x2d9: {  	_ =	swait.ge [sflag:s2], $0x4000  }
0x2da: {  	[sflag:s2] =	ssyncset.done $0x0  }
0x2db: {  	[sflag:s2] =	ssyncadd.s32 $0xFFFFC000  }
0x2dc: {  	_ =	sfence.sel $0x180000  }
0x2dd: {  	[bflag:$0x0] =	sbarrier.arrive $0xFFFF  }
0x2de: {  	_ =	strace $0x90000047  }
0x2df: {  	s0 =	stileid.u32;
	[bflag:$0x2] =	sbarrier.arrive $0xFFFF  }
0x2e0: {  	p0 =	sne.s32 s0, $0x0;
	s0 =	rddreg [dreg:$0x6]  }
0x2e1: {  	s0 =	sadd.s32 @!p0 $0x100000, s0  }
0x2e2: {  	[sflag:s0] =	ssyncadd.tile.s32 @!p0 $0x1;
	_ =	shalt  }
.Lfunc_end2:
_tile_overlayer_lowered:
.L_overlay_start_2:
0x2e3: {  	(tag) =	ssettag $0x2  }
0x2e4: {  	s0 =	rddreg [dreg:$0x0];
	s2 =	stileid.u32  }
0x2e5: {  	s1 =	rddreg [dreg:$0x1];
	p0 =	sne.s32 s2, $0x0  }
0x2e6: {  	s3 =	rddreg [dreg:$0x2];
	[bflag:$0x3] =	sbarrier.arrive $0xFFFF;
	s2 =	simm.s32 @!p0 $0x1C07  }
0x2e7: {  	[timem:s3], [sflag:s2] =	dma.local @!p0 [hbm:s0], s1  }
0x2e8: {  	s0 =	simm.s32 @!p0 $0x7  }
0x2e9: {  	_ =	swait.ge @!p0 [sflag:s0], s1  }
0x2ea: {  	s1 =	ssub.s32 @!p0 $0x0, s1;
	[sflag:s0] =	ssyncset.done @!p0 $0x0  }
0x2eb: {  	[sflag:s0] =	ssyncadd.s32 @!p0 s1  }
0x2ec: {  	[bflag:$0x3] =	sbarrier.arrive $0xFFFF  }
0x2ed: {  	_ =	shalt  }

</sc_bundles>
